<compile_context>
chip_gen: v7x
topology: tpu7x:2x2x1
jax: 0.10.2.dev20260603
libtpu: 0.0.44.dev20260713+nightly
codegen_flags: <defaults>
</compile_context>

<pallas_src>
import functools

import jax
import jax.numpy as jnp
from jax import lax
from jax.experimental import pallas as pl
from jax.experimental.pallas import tpu as pltpu
from jax.experimental.pallas import tpu_sc as plsc

B, HD, H, W, K = 2, 4, 224, 224, 49
SH = SW = 14
NCH = SH * SW
KSIZE, R = 7, 3
KPAD = 64

ROWS_PW = 14
ROWS_HB = 7
CHUNK_C = 28
SLAB_R = ROWS_HB + 6
SLAB_C = 40


def _weight_sc_kernel(sims_hbm, w_hbm, slab, outv):
    nc = 2
    wid = lax.axis_index("s") * nc + lax.axis_index("c")
    b = wid >> 4
    band = wid & 15
    r0 = band * ROWS_PW

    iota = lax.iota(jnp.int32, 16)
    kvs = [jnp.minimum(c * 16 + iota, K - 1) for c in range(4)]
    khv = [(kv * 9363) >> 16 for kv in kvs]
    kwv = [kv - kh * KSIZE for kv, kh in zip(kvs, khv)]

    def chunk_body(ci, _):
        hb = ci >> 3
        x0 = (ci & 7) * CHUNK_C
        rh0 = r0 + hb * ROWS_HB
        y0c = jnp.clip(rh0 - 3, 0, H - SLAB_R)
        x0a = pl.multiple_of(jnp.clip((x0 - 3) & ~7, 0, W - SLAB_C), 8)

        def dma_row(yy, _):
            y = y0c + yy
            pltpu.sync_copy(
                sims_hbm.at[b, y, pl.ds(x0a, SLAB_C), :],
                slab.at[yy],
            )
            return _

        lax.fori_loop(0, SLAB_R, dma_row, None)

        def row_body(hh, _):
            h = rh0 + hh
            sih = h >> 4
            hclip = jnp.clip(h - 3, 0, H - KSIZE)
            i0s = [hclip + khv[c] - y0c for c in range(4)]

            def col_body(wwi, _):
                w = x0 + wwi
                sjw = w >> 4
                wclip = jnp.clip(w - 3, 0, W - KSIZE)
                qrowv = jnp.full((16,), h - y0c, jnp.int32)
                qcolv = jnp.full((16,), w - x0a, jnp.int32)
                i1s = [(wclip - x0a) + kwv[c] for c in range(4)]
                accs = [jnp.zeros((16,), jnp.float32) for _ in range(4)]
                for di in (-1, 0, 1):
                    for dj in (-1, 0, 1):
                        g = (sih + di) * 14 + sjw + dj
                        lqv = jnp.full(
                            (16,), jnp.clip(g, 0, NCH - 1), jnp.int32
                        )
                        pi_vec = plsc.load_gather(slab, [qrowv, qcolv, lqv])
                        rowok = jnp.logical_and(sih + di >= 0, sih + di < SH)
                        ok = jnp.logical_and(
                            rowok,
                            jnp.logical_and(sjw + dj >= 0, sjw + dj < SW),
                        )
                        pi_d = jnp.where(ok, pi_vec, 0.0)
                        for c in range(4):
                            vals = plsc.load_gather(slab, [i0s[c], i1s[c], lqv])
                            accs[c] = accs[c] + pi_d * vals
                for c in range(4):
                    outv[hh, wwi, pl.ds(c * 16, 16)] = accs[c]
                return _

            lax.fori_loop(0, CHUNK_C, col_body, None)
            return _

        lax.fori_loop(0, ROWS_HB, row_body, None)
        pltpu.sync_copy(
            outv, w_hbm.at[b, pl.ds(rh0, ROWS_HB), pl.ds(x0, CHUNK_C), :]
        )
        return _

    lax.fori_loop(0, 16, chunk_body, None)


def _fuse_tc_kernel(attn_ref, w_ref, out_ref):
    a = attn_ref[0, 0]
    m = jnp.max(a, axis=-1, keepdims=True)
    e = jnp.exp(a - m)
    wt = w_ref[0][:, :, :K]
    o = e * wt
    s = jnp.sum(o, axis=-1, keepdims=True)
    out_ref[0, 0] = o * (1.0 / (1e-15 + s))


def kernel(attn, sims):
    sims_r = sims.reshape(B, H, W, NCH)

    mesh = plsc.VectorSubcoreMesh(core_axis_name="c", subcore_axis_name="s")
    weight_call = functools.partial(
        pl.kernel,
        mesh=mesh,
        compiler_params=pltpu.CompilerParams(
            use_tc_tiling_on_sc=False, needs_layout_passes=False
        ),
        out_type=jax.ShapeDtypeStruct((B, H, W, KPAD), jnp.float32),
        scratch_types=[
            pltpu.VMEM((SLAB_R, SLAB_C, NCH), jnp.float32),
            pltpu.VMEM((ROWS_HB, CHUNK_C, KPAD), jnp.float32),
        ],
    )(_weight_sc_kernel)
    weight = weight_call(sims_r)

    rows = 16
    out = pl.pallas_call(
        _fuse_tc_kernel,
        grid=(B, H // rows, HD),
        in_specs=[
            pl.BlockSpec(
                (1, 1, rows, W, K), lambda b, p, hd: (b, hd, p, 0, 0)
            ),
            pl.BlockSpec(
                (1, rows, W, KPAD), lambda b, p, hd: (b, p, 0, 0)
            ),
        ],
        out_specs=pl.BlockSpec(
            (1, 1, rows, W, K), lambda b, p, hd: (b, hd, p, 0, 0)
        ),
        out_shape=jax.ShapeDtypeStruct((B, HD, H, W, K), jnp.float32),
    )(attn, weight)
    return out

# --- scband reference (transcript-rebuilt; emitter-appended) ---
"""Pipeline reference for scband-attn-reweight-76647986364468 (READ-ONLY COPY).

The authoritative reference and input builder live on the scoring server;
editing this copy changes nothing except your own understanding.
"""

import jax, jax.numpy as jnp
import numpy as np


def setup_inputs(seed: int = 0) -> dict:
    key = jax.random.key(seed)
    k1, k2 = jax.random.split(key)
    attn = jax.random.normal(k1, (2, 4, 224, 224, 49), dtype=jnp.float32)
    sims = jax.random.uniform(k2, (2, 224, 224, 14, 14), dtype=jnp.float32)
    return {"attn": attn, "sims": sims}


def reference(attn, sims):
    # attn: (B, HD, H, W, K) neighborhood-attention logits (K = ksize^2)
    # sims: (B, H, W, sH, sW) superpixel membership probabilities per pixel
    B, HD, H, W, K = attn.shape
    _, _, _, sH, sW = sims.shape
    ksize = int(round(K ** 0.5))
    r = ksize // 2
    eps = 1e-15
    # get_indices: nearest-interp of superpixel labels -> per-pixel superpixel (si, sj)
    si = (jnp.arange(H) * sH) // H  # (H,)
    sj = (jnp.arange(W) * sW) // W  # (W,)
    # natten-style clamped window starts for neighbor pixel j of query i
    hs = jnp.clip(jnp.arange(H) - r, 0, H - ksize)
    ws = jnp.clip(jnp.arange(W) - r, 0, W - ksize)
    kh = jnp.arange(K) // ksize
    kw = jnp.arange(K) % ksize
    HJ = hs[:, None] + kh[None, :]  # (H, K) neighbor row index
    WJ = ws[:, None] + kw[None, :]  # (W, K) neighbor col index
    # numerically-stable exp of logits
    c = jnp.max(attn, axis=-1, keepdims=True)
    expattn = jnp.exp(attn - c)
    hh = jnp.arange(H)
    ww = jnp.arange(W)
    # weight[b,h,w,k] = sum_{s in 3x3 nbhd of i's superpixel} P(L_i=s) * P(L_j(k)=s)
    weight = jnp.zeros((B, H, W, K), dtype=attn.dtype)
    for di in (-1, 0, 1):
        for dj in (-1, 0, 1):
            sni = si + di
            snj = sj + dj
            valid = ((sni >= 0) & (sni < sH))[:, None] & ((snj >= 0) & (snj < sW))[None, :]  # (H, W)
            valid = valid.astype(attn.dtype)
            sni_c = jnp.clip(sni, 0, sH - 1)
            snj_c = jnp.clip(snj, 0, sW - 1)
            # P(L_i = s_n): (B, H, W)  -- GatherSims equivalent (pi term)
            pi_n = sims[:, hh[:, None], ww[None, :], sni_c[:, None], snj_c[None, :]]
            pi_n = pi_n * valid
            # P(L_j = s_n) at neighbor pixels: (B, H, W, K)  -- reweight_forward equivalent
            simsJ = sims[:, HJ[:, None, :], WJ[None, :, :], sni_c[:, None, None], snj_c[None, :, None]]
            simsJ = simsJ * valid[None, :, :, None]
            weight = weight + pi_n[..., None] * simsJ
    out = expattn * weight[:, None]  # (B, HD, H, W, K)
    out = out / (eps + jnp.sum(out, axis=-1, keepdims=True))
    return out

if __name__ == "__main__":
    import jax
    _d = setup_inputs()
    print(jax.jit(kernel)(*tuple(_d.values())))

</pallas_src>

<mosaic_0001>
#map = affine_map<(d0, d1) -> (0, 0, 0, 0)>
module attributes {stable_mosaic.version = 14 : i64} {
  func.func @_weight_sc_kernel(%arg0: i32, %arg1: i32, %arg2: memref<2x224x224x196xf32, #tpu.memory_space<hbm>>, %arg3: memref<2x224x224x64xf32, #tpu.memory_space<hbm>>, %arg4: memref<13x40x196xf32, #tpu.memory_space<vmem>>, %arg5: memref<7x28x64xf32, #tpu.memory_space<vmem>>) attributes {dimension_semantics = [#tpu.dimension_semantics<core_parallel>, #tpu.dimension_semantics<subcore_parallel>], iteration_bounds = array<i64: 2, 16>, scalar_prefetch = 0 : i64, scratch_operands = 2 : i64, tpu.core_type = #tpu.core_type<sc_vector_subcore>, window_params = [{transform_indices = #map}, {transform_indices = #map}]} {
    %mul3A = arith.constant 2 : i32
    %mul3A_0 = arith.muli %arg1, %mul3A : i32
    %add3A = arith.addi %mul3A_0, %arg0 : i32
    %shift_right_arithmetic3A = arith.constant 4 : i32
    %shift_right_arithmetic3A_1 = arith.shrsi %add3A, %shift_right_arithmetic3A : i32
    %and3A = arith.constant 15 : i32
    %and3A_2 = arith.andi %add3A, %and3A : i32
    %mul3A_3 = arith.constant 14 : i32
    %mul3A_4 = arith.muli %and3A_2, %mul3A_3 : i32
    %iota3A = tpu.iota {dimensions = array<i32: 0>} : vector<16xi32>
    %add3A_5 = arith.constant 0 : i32
    %add3A_6 = vector.broadcast %add3A_5 : i32 to vector<16xi32>
    %add3A_7 = arith.addi %add3A_6, %iota3A : vector<16xi32>
    %min3A = arith.constant 48 : i32
    %min3A_8 = vector.broadcast %min3A : i32 to vector<16xi32>
    %min3A_9 = arith.minsi %add3A_7, %min3A_8 : vector<16xi32>
    %add3A_10 = arith.constant 16 : i32
    %add3A_11 = vector.broadcast %add3A_10 : i32 to vector<16xi32>
    %add3A_12 = arith.addi %add3A_11, %iota3A : vector<16xi32>
    %min3A_13 = arith.constant 48 : i32
    %min3A_14 = vector.broadcast %min3A_13 : i32 to vector<16xi32>
    %min3A_15 = arith.minsi %add3A_12, %min3A_14 : vector<16xi32>
    %add3A_16 = arith.constant 32 : i32
    %add3A_17 = vector.broadcast %add3A_16 : i32 to vector<16xi32>
    %add3A_18 = arith.addi %add3A_17, %iota3A : vector<16xi32>
    %min3A_19 = arith.constant 48 : i32
    %min3A_20 = vector.broadcast %min3A_19 : i32 to vector<16xi32>
    %min3A_21 = arith.minsi %add3A_18, %min3A_20 : vector<16xi32>
    %add3A_22 = arith.constant 48 : i32
    %add3A_23 = vector.broadcast %add3A_22 : i32 to vector<16xi32>
    %add3A_24 = arith.addi %add3A_23, %iota3A : vector<16xi32>
    %min3A_25 = arith.constant 48 : i32
    %min3A_26 = vector.broadcast %min3A_25 : i32 to vector<16xi32>
    %min3A_27 = arith.minsi %add3A_24, %min3A_26 : vector<16xi32>
    %mul3A_28 = arith.constant 9363 : i32
    %mul3A_29 = vector.broadcast %mul3A_28 : i32 to vector<16xi32>
    %mul3A_30 = arith.muli %min3A_9, %mul3A_29 : vector<16xi32>
    %shift_right_arithmetic3A_31 = arith.constant 16 : i32
    %shift_right_arithmetic3A_32 = vector.broadcast %shift_right_arithmetic3A_31 : i32 to vector<16xi32>
    %shift_right_arithmetic3A_33 = arith.shrsi %mul3A_30, %shift_right_arithmetic3A_32 : vector<16xi32>
    %mul3A_34 = arith.constant 9363 : i32
    %mul3A_35 = vector.broadcast %mul3A_34 : i32 to vector<16xi32>
    %mul3A_36 = arith.muli %min3A_15, %mul3A_35 : vector<16xi32>
    %shift_right_arithmetic3A_37 = arith.constant 16 : i32
    %shift_right_arithmetic3A_38 = vector.broadcast %shift_right_arithmetic3A_37 : i32 to vector<16xi32>
    %shift_right_arithmetic3A_39 = arith.shrsi %mul3A_36, %shift_right_arithmetic3A_38 : vector<16xi32>
    %mul3A_40 = arith.constant 9363 : i32
    %mul3A_41 = vector.broadcast %mul3A_40 : i32 to vector<16xi32>
    %mul3A_42 = arith.muli %min3A_21, %mul3A_41 : vector<16xi32>
    %shift_right_arithmetic3A_43 = arith.constant 16 : i32
    %shift_right_arithmetic3A_44 = vector.broadcast %shift_right_arithmetic3A_43 : i32 to vector<16xi32>
    %shift_right_arithmetic3A_45 = arith.shrsi %mul3A_42, %shift_right_arithmetic3A_44 : vector<16xi32>
    %mul3A_46 = arith.constant 9363 : i32
    %mul3A_47 = vector.broadcast %mul3A_46 : i32 to vector<16xi32>
    %mul3A_48 = arith.muli %min3A_27, %mul3A_47 : vector<16xi32>
    %shift_right_arithmetic3A_49 = arith.constant 16 : i32
    %shift_right_arithmetic3A_50 = vector.broadcast %shift_right_arithmetic3A_49 : i32 to vector<16xi32>
    %shift_right_arithmetic3A_51 = arith.shrsi %mul3A_48, %shift_right_arithmetic3A_50 : vector<16xi32>
    %mul3A_52 = arith.constant 7 : i32
    %mul3A_53 = vector.broadcast %mul3A_52 : i32 to vector<16xi32>
    %mul3A_54 = arith.muli %shift_right_arithmetic3A_33, %mul3A_53 : vector<16xi32>
    %sub3A = arith.subi %min3A_9, %mul3A_54 : vector<16xi32>
    %mul3A_55 = arith.constant 7 : i32
    %mul3A_56 = vector.broadcast %mul3A_55 : i32 to vector<16xi32>
    %mul3A_57 = arith.muli %shift_right_arithmetic3A_39, %mul3A_56 : vector<16xi32>
    %sub3A_58 = arith.subi %min3A_15, %mul3A_57 : vector<16xi32>
    %mul3A_59 = arith.constant 7 : i32
    %mul3A_60 = vector.broadcast %mul3A_59 : i32 to vector<16xi32>
    %mul3A_61 = arith.muli %shift_right_arithmetic3A_45, %mul3A_60 : vector<16xi32>
    %sub3A_62 = arith.subi %min3A_21, %mul3A_61 : vector<16xi32>
    %mul3A_63 = arith.constant 7 : i32
    %mul3A_64 = vector.broadcast %mul3A_63 : i32 to vector<16xi32>
    %mul3A_65 = arith.muli %shift_right_arithmetic3A_51, %mul3A_64 : vector<16xi32>
    %sub3A_66 = arith.subi %min3A_27, %mul3A_65 : vector<16xi32>
    %scan3A = arith.constant 0 : i32
    %scan3A_67 = arith.constant 16 : i32
    %scan3A_68 = arith.addi %scan3A, %scan3A_67 : i32
    %scan3A_69 = arith.constant 1 : i32
    scf.for %scan3A_71 = %scan3A to %scan3A_68 step %scan3A_69  : i32 {
      %shift_right_arithmetic3A_72 = arith.constant 3 : i32
      %shift_right_arithmetic3A_73 = arith.shrsi %scan3A_71, %shift_right_arithmetic3A_72 : i32
      %and3A_74 = arith.constant 7 : i32
      %and3A_75 = arith.andi %scan3A_71, %and3A_74 : i32
      %mul3A_76 = arith.constant 28 : i32
      %mul3A_77 = arith.muli %and3A_75, %mul3A_76 : i32
      %mul3A_78 = arith.constant 7 : i32
      %mul3A_79 = arith.muli %shift_right_arithmetic3A_73, %mul3A_78 : i32
      %add3A_80 = arith.addi %mul3A_4, %mul3A_79 : i32
      %sub3A_81 = arith.constant 3 : i32
      %sub3A_82 = arith.subi %add3A_80, %sub3A_81 : i32
      %jit3A = arith.constant 0 : i32
      %jit3A_83 = arith.constant 211 : i32
      %max3A = arith.maxsi %jit3A, %sub3A_82 : i32
      %min3A_84 = arith.minsi %jit3A_83, %max3A : i32
      %sub3A_85 = arith.constant 3 : i32
      %sub3A_86 = arith.subi %mul3A_77, %sub3A_85 : i32
      %and3A_87 = arith.constant -8 : i32
      %and3A_88 = arith.andi %sub3A_86, %and3A_87 : i32
      %jit3A_89 = arith.constant 0 : i32
      %jit3A_90 = arith.constant 184 : i32
      %max3A_91 = arith.maxsi %jit3A_89, %and3A_88 : i32
      %min3A_92 = arith.minsi %jit3A_90, %max3A_91 : i32
      %multiple_of3A = tpu.assume_multiple %min3A_92, 8 : i32
      %scan3A_93 = arith.constant 0 : i32
      %scan3A_94 = arith.constant 13 : i32
      %scan3A_95 = arith.addi %scan3A_93, %scan3A_94 : i32
      %scan3A_96 = arith.constant 1 : i32
      scf.for %scan3A_103 = %scan3A_93 to %scan3A_95 step %scan3A_96  : i32 {
        %add3A_104 = arith.addi %min3A_84, %scan3A_103 : i32
        "tpu.region"() ({
          %run_scoped3A = tpu.sem_alloc : memref<!tpu.dma_semaphore, #tpu.memory_space<semaphore_mem>>
          %dma_start3A = arith.constant 0 : i32
          %dma_start3A_105 = arith.constant 0 : i32
          %dma_start3A_106 = tpu.memref_slice %arg4[%scan3A_103, %dma_start3A, %dma_start3A_105] : memref<13x40x196xf32, #tpu.memory_space<vmem>> -> memref<1x40x196xf32, #tpu.memory_space<vmem>>
          %dma_start3A_107 = tpu.memref_squeeze %dma_start3A_106 : memref<1x40x196xf32, #tpu.memory_space<vmem>> -> memref<40x196xf32, #tpu.memory_space<vmem>>
          %dma_start3A_108 = arith.constant 0 : i32
          %dma_start3A_109 = tpu.memref_slice %arg2[%shift_right_arithmetic3A_1, %add3A_104, %multiple_of3A, %dma_start3A_108] : memref<2x224x224x196xf32, #tpu.memory_space<hbm>> -> memref<1x1x40x196xf32, #tpu.memory_space<hbm>>
          %dma_start3A_110 = tpu.memref_squeeze %dma_start3A_109 : memref<1x1x40x196xf32, #tpu.memory_space<hbm>> -> memref<40x196xf32, #tpu.memory_space<hbm>>
          %dma_start3A_111 = arith.constant 0 : i32
          %dma_start3A_112 = arith.constant 0 : i32
          %dma_start3A_113 = tpu.memref_slice %arg4[%scan3A_103, %dma_start3A_111, %dma_start3A_112] : memref<13x40x196xf32, #tpu.memory_space<vmem>> -> memref<1x40x196xf32, #tpu.memory_space<vmem>>
          %dma_start3A_114 = tpu.memref_squeeze %dma_start3A_113 : memref<1x40x196xf32, #tpu.memory_space<vmem>> -> memref<40x196xf32, #tpu.memory_space<vmem>>
          %dma_start3A_115 = arith.constant 0 : i32
          %dma_start3A_116 = tpu.memref_slice %arg2[%shift_right_arithmetic3A_1, %add3A_104, %multiple_of3A, %dma_start3A_115] : memref<2x224x224x196xf32, #tpu.memory_space<hbm>> -> memref<1x1x40x196xf32, #tpu.memory_space<hbm>>
          %dma_start3A_117 = tpu.memref_squeeze %dma_start3A_116 : memref<1x1x40x196xf32, #tpu.memory_space<hbm>> -> memref<40x196xf32, #tpu.memory_space<hbm>>
          tpu.enqueue_dma source(%dma_start3A_117 : memref<40x196xf32, #tpu.memory_space<hbm>>) target(%dma_start3A_114 : memref<40x196xf32, #tpu.memory_space<vmem>>) target_semaphore(%run_scoped3A : memref<!tpu.dma_semaphore, #tpu.memory_space<semaphore_mem>>)
          %dma_wait3A = arith.constant 0 : i32
          %dma_wait3A_118 = arith.constant 0 : i32
          %dma_wait3A_119 = tpu.memref_slice %arg4[%scan3A_103, %dma_wait3A, %dma_wait3A_118] : memref<13x40x196xf32, #tpu.memory_space<vmem>> -> memref<1x40x196xf32, #tpu.memory_space<vmem>>
          %dma_wait3A_120 = tpu.memref_squeeze %dma_wait3A_119 : memref<1x40x196xf32, #tpu.memory_space<vmem>> -> memref<40x196xf32, #tpu.memory_space<vmem>>
          %dma_wait3A_121 = arith.constant 0 : i32
          %dma_wait3A_122 = tpu.memref_slice %arg2[%shift_right_arithmetic3A_1, %add3A_104, %multiple_of3A, %dma_wait3A_121] : memref<2x224x224x196xf32, #tpu.memory_space<hbm>> -> memref<1x1x40x196xf32, #tpu.memory_space<hbm>>
          %dma_wait3A_123 = tpu.memref_squeeze %dma_wait3A_122 : memref<1x1x40x196xf32, #tpu.memory_space<hbm>> -> memref<40x196xf32, #tpu.memory_space<hbm>>
          %dma_wait3A_124 = arith.constant 0 : i32
          %dma_wait3A_125 = arith.constant 0 : i32
          %dma_wait3A_126 = tpu.memref_slice %arg4[%scan3A_103, %dma_wait3A_124, %dma_wait3A_125] : memref<13x40x196xf32, #tpu.memory_space<vmem>> -> memref<1x40x196xf32, #tpu.memory_space<vmem>>
          %dma_wait3A_127 = tpu.memref_squeeze %dma_wait3A_126 : memref<1x40x196xf32, #tpu.memory_space<vmem>> -> memref<40x196xf32, #tpu.memory_space<vmem>>
          %dma_wait3A_128 = arith.constant 0 : i32
          %dma_wait3A_129 = tpu.memref_slice %arg2[%shift_right_arithmetic3A_1, %add3A_104, %multiple_of3A, %dma_wait3A_128] : memref<2x224x224x196xf32, #tpu.memory_space<hbm>> -> memref<1x1x40x196xf32, #tpu.memory_space<hbm>>
          %dma_wait3A_130 = tpu.memref_squeeze %dma_wait3A_129 : memref<1x1x40x196xf32, #tpu.memory_space<hbm>> -> memref<40x196xf32, #tpu.memory_space<hbm>>
          tpu.wait_dma2 semaphore(%run_scoped3A : memref<!tpu.dma_semaphore, #tpu.memory_space<semaphore_mem>>) src(%dma_wait3A_130 : memref<40x196xf32, #tpu.memory_space<hbm>>) dst(%dma_wait3A_127 : memref<40x196xf32, #tpu.memory_space<vmem>>)
          tpu.yield
        }) : () -> ()
      }
      %scan3A_97 = arith.constant 13 : i32
      %scan3A_98 = arith.constant 0 : i32
      %scan3A_99 = arith.constant 7 : i32
      %scan3A_100 = arith.addi %scan3A_98, %scan3A_99 : i32
      %scan3A_101 = arith.constant 1 : i32
      scf.for %scan3A_103 = %scan3A_98 to %scan3A_100 step %scan3A_101  : i32 {
        %add3A_104 = arith.addi %add3A_80, %scan3A_103 : i32
        %shift_right_arithmetic3A_105 = arith.constant 4 : i32
        %shift_right_arithmetic3A_106 = arith.shrsi %add3A_104, %shift_right_arithmetic3A_105 : i32
        %sub3A_107 = arith.constant 3 : i32
        %sub3A_108 = arith.subi %add3A_104, %sub3A_107 : i32
        %jit3A_109 = arith.constant 0 : i32
        %jit3A_110 = arith.constant 217 : i32
        %max3A_111 = arith.maxsi %jit3A_109, %sub3A_108 : i32
        %min3A_112 = arith.minsi %jit3A_110, %max3A_111 : i32
        %add3A_113 = vector.broadcast %min3A_112 : i32 to vector<16xi32>
        %add3A_114 = arith.addi %add3A_113, %shift_right_arithmetic3A_33 : vector<16xi32>
        %sub3A_115 = vector.broadcast %min3A_84 : i32 to vector<16xi32>
        %sub3A_116 = arith.subi %add3A_114, %sub3A_115 : vector<16xi32>
        %add3A_117 = vector.broadcast %min3A_112 : i32 to vector<16xi32>
        %add3A_118 = arith.addi %add3A_117, %shift_right_arithmetic3A_39 : vector<16xi32>
        %sub3A_119 = vector.broadcast %min3A_84 : i32 to vector<16xi32>
        %sub3A_120 = arith.subi %add3A_118, %sub3A_119 : vector<16xi32>
        %add3A_121 = vector.broadcast %min3A_112 : i32 to vector<16xi32>
        %add3A_122 = arith.addi %add3A_121, %shift_right_arithmetic3A_45 : vector<16xi32>
        %sub3A_123 = vector.broadcast %min3A_84 : i32 to vector<16xi32>
        %sub3A_124 = arith.subi %add3A_122, %sub3A_123 : vector<16xi32>
        %add3A_125 = vector.broadcast %min3A_112 : i32 to vector<16xi32>
        %add3A_126 = arith.addi %add3A_125, %shift_right_arithmetic3A_51 : vector<16xi32>
        %sub3A_127 = vector.broadcast %min3A_84 : i32 to vector<16xi32>
        %sub3A_128 = arith.subi %add3A_126, %sub3A_127 : vector<16xi32>
        %scan3A_129 = arith.constant 0 : i32
        %scan3A_130 = arith.constant 28 : i32
        %scan3A_131 = arith.addi %scan3A_129, %scan3A_130 : i32
        %scan3A_132 = arith.constant 1 : i32
        scf.for %scan3A_134 = %scan3A_129 to %scan3A_131 step %scan3A_132  : i32 {
          %add3A_135 = arith.addi %mul3A_77, %scan3A_134 : i32
          %shift_right_arithmetic3A_136 = arith.constant 4 : i32
          %shift_right_arithmetic3A_137 = arith.shrsi %add3A_135, %shift_right_arithmetic3A_136 : i32
          %sub3A_138 = arith.constant 3 : i32
          %sub3A_139 = arith.subi %add3A_135, %sub3A_138 : i32
          %jit3A_140 = arith.constant 0 : i32
          %jit3A_141 = arith.constant 217 : i32
          %max3A_142 = arith.maxsi %jit3A_140, %sub3A_139 : i32
          %min3A_143 = arith.minsi %jit3A_141, %max3A_142 : i32
          %sub3A_144 = arith.subi %add3A_104, %min3A_84 : i32
          %broadcast_in_dim3A = vector.broadcast %sub3A_144 : i32 to vector<16xi32>
          %sub3A_145 = arith.subi %add3A_135, %multiple_of3A : i32
          %broadcast_in_dim3A_146 = vector.broadcast %sub3A_145 : i32 to vector<16xi32>
          %sub3A_147 = arith.subi %min3A_143, %multiple_of3A : i32
          %add3A_148 = vector.broadcast %sub3A_147 : i32 to vector<16xi32>
          %add3A_149 = arith.addi %add3A_148, %sub3A : vector<16xi32>
          %sub3A_150 = arith.subi %min3A_143, %multiple_of3A : i32
          %add3A_151 = vector.broadcast %sub3A_150 : i32 to vector<16xi32>
          %add3A_152 = arith.addi %add3A_151, %sub3A_58 : vector<16xi32>
          %sub3A_153 = arith.subi %min3A_143, %multiple_of3A : i32
          %add3A_154 = vector.broadcast %sub3A_153 : i32 to vector<16xi32>
          %add3A_155 = arith.addi %add3A_154, %sub3A_62 : vector<16xi32>
          %sub3A_156 = arith.subi %min3A_143, %multiple_of3A : i32
          %add3A_157 = vector.broadcast %sub3A_156 : i32 to vector<16xi32>
          %add3A_158 = arith.addi %add3A_157, %sub3A_66 : vector<16xi32>
          %broadcast_in_dim3A_159 = arith.constant 0.000000e+00 : f32
          %broadcast_in_dim3A_160 = vector.broadcast %broadcast_in_dim3A_159 : f32 to vector<16xf32>
          %broadcast_in_dim3A_161 = arith.constant 0.000000e+00 : f32
          %broadcast_in_dim3A_162 = vector.broadcast %broadcast_in_dim3A_161 : f32 to vector<16xf32>
          %broadcast_in_dim3A_163 = arith.constant 0.000000e+00 : f32
          %broadcast_in_dim3A_164 = vector.broadcast %broadcast_in_dim3A_163 : f32 to vector<16xf32>
          %broadcast_in_dim3A_165 = arith.constant 0.000000e+00 : f32
          %broadcast_in_dim3A_166 = vector.broadcast %broadcast_in_dim3A_165 : f32 to vector<16xf32>
          %add3A_167 = arith.constant -1 : i32
          %add3A_168 = arith.addi %shift_right_arithmetic3A_106, %add3A_167 : i32
          %mul3A_169 = arith.constant 14 : i32
          %mul3A_170 = arith.muli %add3A_168, %mul3A_169 : i32
          %add3A_171 = arith.addi %mul3A_170, %shift_right_arithmetic3A_137 : i32
          %add3A_172 = arith.constant -1 : i32
          %add3A_173 = arith.addi %add3A_171, %add3A_172 : i32
          %jit3A_174 = arith.constant 0 : i32
          %jit3A_175 = arith.constant 195 : i32
          %max3A_176 = arith.maxsi %jit3A_174, %add3A_173 : i32
          %min3A_177 = arith.minsi %jit3A_175, %max3A_176 : i32
          %broadcast_in_dim3A_178 = vector.broadcast %min3A_177 : i32 to vector<16xi32>
          %gather3A = tpu.vector_load_idx %arg4[%broadcast_in_dim3A, %broadcast_in_dim3A_146, %broadcast_in_dim3A_178] : memref<13x40x196xf32, #tpu.memory_space<vmem>>[vector<16xi32>, vector<16xi32>, vector<16xi32>], vector<16xf32>,
          %add3A_179 = arith.constant -1 : i32
          %add3A_180 = arith.addi %shift_right_arithmetic3A_106, %add3A_179 : i32
          %ge3A = arith.constant 0 : i32
          %ge3A_181 = arith.cmpi sge, %add3A_180, %ge3A : i32
          %add3A_182 = arith.constant -1 : i32
          %add3A_183 = arith.addi %shift_right_arithmetic3A_106, %add3A_182 : i32
          %lt3A = arith.constant 14 : i32
          %lt3A_184 = arith.cmpi slt, %add3A_183, %lt3A : i32
          %and3A_185 = arith.andi %ge3A_181, %lt3A_184 : i1
          %add3A_186 = arith.constant -1 : i32
          %add3A_187 = arith.addi %shift_right_arithmetic3A_137, %add3A_186 : i32
          %ge3A_188 = arith.constant 0 : i32
          %ge3A_189 = arith.cmpi sge, %add3A_187, %ge3A_188 : i32
          %add3A_190 = arith.constant -1 : i32
          %add3A_191 = arith.addi %shift_right_arithmetic3A_137, %add3A_190 : i32
          %lt3A_192 = arith.constant 14 : i32
          %lt3A_193 = arith.cmpi slt, %add3A_191, %lt3A_192 : i32
          %and3A_194 = arith.andi %ge3A_189, %lt3A_193 : i1
          %and3A_195 = arith.andi %and3A_185, %and3A_194 : i1
          %jit3A_196 = arith.constant 0.000000e+00 : f32
          %broadcast_in_dim3A_197 = vector.broadcast %jit3A_196 : f32 to vector<16xf32>
          %select_n3A = arith.select %and3A_195, %gather3A, %broadcast_in_dim3A_197 : vector<16xf32>
          %gather3A_198 = tpu.vector_load_idx %arg4[%sub3A_116, %add3A_149, %broadcast_in_dim3A_178] : memref<13x40x196xf32, #tpu.memory_space<vmem>>[vector<16xi32>, vector<16xi32>, vector<16xi32>], vector<16xf32>,
          %mul3A_199 = arith.mulf %select_n3A, %gather3A_198 : vector<16xf32>
          %add3A_200 = arith.addf %broadcast_in_dim3A_160, %mul3A_199 : vector<16xf32>
          %gather3A_201 = tpu.vector_load_idx %arg4[%sub3A_120, %add3A_152, %broadcast_in_dim3A_178] : memref<13x40x196xf32, #tpu.memory_space<vmem>>[vector<16xi32>, vector<16xi32>, vector<16xi32>], vector<16xf32>,
          %mul3A_202 = arith.mulf %select_n3A, %gather3A_201 : vector<16xf32>
          %add3A_203 = arith.addf %broadcast_in_dim3A_162, %mul3A_202 : vector<16xf32>
          %gather3A_204 = tpu.vector_load_idx %arg4[%sub3A_124, %add3A_155, %broadcast_in_dim3A_178] : memref<13x40x196xf32, #tpu.memory_space<vmem>>[vector<16xi32>, vector<16xi32>, vector<16xi32>], vector<16xf32>,
          %mul3A_205 = arith.mulf %select_n3A, %gather3A_204 : vector<16xf32>
          %add3A_206 = arith.addf %broadcast_in_dim3A_164, %mul3A_205 : vector<16xf32>
          %gather3A_207 = tpu.vector_load_idx %arg4[%sub3A_128, %add3A_158, %broadcast_in_dim3A_178] : memref<13x40x196xf32, #tpu.memory_space<vmem>>[vector<16xi32>, vector<16xi32>, vector<16xi32>], vector<16xf32>,
          %mul3A_208 = arith.mulf %select_n3A, %gather3A_207 : vector<16xf32>
          %add3A_209 = arith.addf %broadcast_in_dim3A_166, %mul3A_208 : vector<16xf32>
          %add3A_210 = arith.constant -1 : i32
          %add3A_211 = arith.addi %shift_right_arithmetic3A_106, %add3A_210 : i32
          %mul3A_212 = arith.constant 14 : i32
          %mul3A_213 = arith.muli %add3A_211, %mul3A_212 : i32
          %add3A_214 = arith.addi %mul3A_213, %shift_right_arithmetic3A_137 : i32
          %add3A_215 = arith.constant 0 : i32
          %add3A_216 = arith.addi %add3A_214, %add3A_215 : i32
          %jit3A_217 = arith.constant 0 : i32
          %jit3A_218 = arith.constant 195 : i32
          %max3A_219 = arith.maxsi %jit3A_217, %add3A_216 : i32
          %min3A_220 = arith.minsi %jit3A_218, %max3A_219 : i32
          %broadcast_in_dim3A_221 = vector.broadcast %min3A_220 : i32 to vector<16xi32>
          %gather3A_222 = tpu.vector_load_idx %arg4[%broadcast_in_dim3A, %broadcast_in_dim3A_146, %broadcast_in_dim3A_221] : memref<13x40x196xf32, #tpu.memory_space<vmem>>[vector<16xi32>, vector<16xi32>, vector<16xi32>], vector<16xf32>,
          %add3A_223 = arith.constant -1 : i32
          %add3A_224 = arith.addi %shift_right_arithmetic3A_106, %add3A_223 : i32
          %ge3A_225 = arith.constant 0 : i32
          %ge3A_226 = arith.cmpi sge, %add3A_224, %ge3A_225 : i32
          %add3A_227 = arith.constant -1 : i32
          %add3A_228 = arith.addi %shift_right_arithmetic3A_106, %add3A_227 : i32
          %lt3A_229 = arith.constant 14 : i32
          %lt3A_230 = arith.cmpi slt, %add3A_228, %lt3A_229 : i32
          %and3A_231 = arith.andi %ge3A_226, %lt3A_230 : i1
          %add3A_232 = arith.constant 0 : i32
          %add3A_233 = arith.addi %shift_right_arithmetic3A_137, %add3A_232 : i32
          %ge3A_234 = arith.constant 0 : i32
          %ge3A_235 = arith.cmpi sge, %add3A_233, %ge3A_234 : i32
          %add3A_236 = arith.constant 0 : i32
          %add3A_237 = arith.addi %shift_right_arithmetic3A_137, %add3A_236 : i32
          %lt3A_238 = arith.constant 14 : i32
          %lt3A_239 = arith.cmpi slt, %add3A_237, %lt3A_238 : i32
          %and3A_240 = arith.andi %ge3A_235, %lt3A_239 : i1
          %and3A_241 = arith.andi %and3A_231, %and3A_240 : i1
          %jit3A_242 = arith.constant 0.000000e+00 : f32
          %broadcast_in_dim3A_243 = vector.broadcast %jit3A_242 : f32 to vector<16xf32>
          %select_n3A_244 = arith.select %and3A_241, %gather3A_222, %broadcast_in_dim3A_243 : vector<16xf32>
          %gather3A_245 = tpu.vector_load_idx %arg4[%sub3A_116, %add3A_149, %broadcast_in_dim3A_221] : memref<13x40x196xf32, #tpu.memory_space<vmem>>[vector<16xi32>, vector<16xi32>, vector<16xi32>], vector<16xf32>,
          %mul3A_246 = arith.mulf %select_n3A_244, %gather3A_245 : vector<16xf32>
          %add3A_247 = arith.addf %add3A_200, %mul3A_246 : vector<16xf32>
          %gather3A_248 = tpu.vector_load_idx %arg4[%sub3A_120, %add3A_152, %broadcast_in_dim3A_221] : memref<13x40x196xf32, #tpu.memory_space<vmem>>[vector<16xi32>, vector<16xi32>, vector<16xi32>], vector<16xf32>,
          %mul3A_249 = arith.mulf %select_n3A_244, %gather3A_248 : vector<16xf32>
          %add3A_250 = arith.addf %add3A_203, %mul3A_249 : vector<16xf32>
          %gather3A_251 = tpu.vector_load_idx %arg4[%sub3A_124, %add3A_155, %broadcast_in_dim3A_221] : memref<13x40x196xf32, #tpu.memory_space<vmem>>[vector<16xi32>, vector<16xi32>, vector<16xi32>], vector<16xf32>,
          %mul3A_252 = arith.mulf %select_n3A_244, %gather3A_251 : vector<16xf32>
          %add3A_253 = arith.addf %add3A_206, %mul3A_252 : vector<16xf32>
          %gather3A_254 = tpu.vector_load_idx %arg4[%sub3A_128, %add3A_158, %broadcast_in_dim3A_221] : memref<13x40x196xf32, #tpu.memory_space<vmem>>[vector<16xi32>, vector<16xi32>, vector<16xi32>], vector<16xf32>,
          %mul3A_255 = arith.mulf %select_n3A_244, %gather3A_254 : vector<16xf32>
          %add3A_256 = arith.addf %add3A_209, %mul3A_255 : vector<16xf32>
          %add3A_257 = arith.constant -1 : i32
          %add3A_258 = arith.addi %shift_right_arithmetic3A_106, %add3A_257 : i32
          %mul3A_259 = arith.constant 14 : i32
          %mul3A_260 = arith.muli %add3A_258, %mul3A_259 : i32
          %add3A_261 = arith.addi %mul3A_260, %shift_right_arithmetic3A_137 : i32
          %add3A_262 = arith.constant 1 : i32
          %add3A_263 = arith.addi %add3A_261, %add3A_262 : i32
          %jit3A_264 = arith.constant 0 : i32
          %jit3A_265 = arith.constant 195 : i32
          %max3A_266 = arith.maxsi %jit3A_264, %add3A_263 : i32
          %min3A_267 = arith.minsi %jit3A_265, %max3A_266 : i32
          %broadcast_in_dim3A_268 = vector.broadcast %min3A_267 : i32 to vector<16xi32>
          %gather3A_269 = tpu.vector_load_idx %arg4[%broadcast_in_dim3A, %broadcast_in_dim3A_146, %broadcast_in_dim3A_268] : memref<13x40x196xf32, #tpu.memory_space<vmem>>[vector<16xi32>, vector<16xi32>, vector<16xi32>], vector<16xf32>,
          %add3A_270 = arith.constant -1 : i32
          %add3A_271 = arith.addi %shift_right_arithmetic3A_106, %add3A_270 : i32
          %ge3A_272 = arith.constant 0 : i32
          %ge3A_273 = arith.cmpi sge, %add3A_271, %ge3A_272 : i32
          %add3A_274 = arith.constant -1 : i32
          %add3A_275 = arith.addi %shift_right_arithmetic3A_106, %add3A_274 : i32
          %lt3A_276 = arith.constant 14 : i32
          %lt3A_277 = arith.cmpi slt, %add3A_275, %lt3A_276 : i32
          %and3A_278 = arith.andi %ge3A_273, %lt3A_277 : i1
          %add3A_279 = arith.constant 1 : i32
          %add3A_280 = arith.addi %shift_right_arithmetic3A_137, %add3A_279 : i32
          %ge3A_281 = arith.constant 0 : i32
          %ge3A_282 = arith.cmpi sge, %add3A_280, %ge3A_281 : i32
          %add3A_283 = arith.constant 1 : i32
          %add3A_284 = arith.addi %shift_right_arithmetic3A_137, %add3A_283 : i32
          %lt3A_285 = arith.constant 14 : i32
          %lt3A_286 = arith.cmpi slt, %add3A_284, %lt3A_285 : i32
          %and3A_287 = arith.andi %ge3A_282, %lt3A_286 : i1
          %and3A_288 = arith.andi %and3A_278, %and3A_287 : i1
          %jit3A_289 = arith.constant 0.000000e+00 : f32
          %broadcast_in_dim3A_290 = vector.broadcast %jit3A_289 : f32 to vector<16xf32>
          %select_n3A_291 = arith.select %and3A_288, %gather3A_269, %broadcast_in_dim3A_290 : vector<16xf32>
          %gather3A_292 = tpu.vector_load_idx %arg4[%sub3A_116, %add3A_149, %broadcast_in_dim3A_268] : memref<13x40x196xf32, #tpu.memory_space<vmem>>[vector<16xi32>, vector<16xi32>, vector<16xi32>], vector<16xf32>,
          %mul3A_293 = arith.mulf %select_n3A_291, %gather3A_292 : vector<16xf32>
          %add3A_294 = arith.addf %add3A_247, %mul3A_293 : vector<16xf32>
          %gather3A_295 = tpu.vector_load_idx %arg4[%sub3A_120, %add3A_152, %broadcast_in_dim3A_268] : memref<13x40x196xf32, #tpu.memory_space<vmem>>[vector<16xi32>, vector<16xi32>, vector<16xi32>], vector<16xf32>,
          %mul3A_296 = arith.mulf %select_n3A_291, %gather3A_295 : vector<16xf32>
          %add3A_297 = arith.addf %add3A_250, %mul3A_296 : vector<16xf32>
          %gather3A_298 = tpu.vector_load_idx %arg4[%sub3A_124, %add3A_155, %broadcast_in_dim3A_268] : memref<13x40x196xf32, #tpu.memory_space<vmem>>[vector<16xi32>, vector<16xi32>, vector<16xi32>], vector<16xf32>,
          %mul3A_299 = arith.mulf %select_n3A_291, %gather3A_298 : vector<16xf32>
          %add3A_300 = arith.addf %add3A_253, %mul3A_299 : vector<16xf32>
          %gather3A_301 = tpu.vector_load_idx %arg4[%sub3A_128, %add3A_158, %broadcast_in_dim3A_268] : memref<13x40x196xf32, #tpu.memory_space<vmem>>[vector<16xi32>, vector<16xi32>, vector<16xi32>], vector<16xf32>,
          %mul3A_302 = arith.mulf %select_n3A_291, %gather3A_301 : vector<16xf32>
          %add3A_303 = arith.addf %add3A_256, %mul3A_302 : vector<16xf32>
          %add3A_304 = arith.constant 0 : i32
          %add3A_305 = arith.addi %shift_right_arithmetic3A_106, %add3A_304 : i32
          %mul3A_306 = arith.constant 14 : i32
          %mul3A_307 = arith.muli %add3A_305, %mul3A_306 : i32
          %add3A_308 = arith.addi %mul3A_307, %shift_right_arithmetic3A_137 : i32
          %add3A_309 = arith.constant -1 : i32
          %add3A_310 = arith.addi %add3A_308, %add3A_309 : i32
          %jit3A_311 = arith.constant 0 : i32
          %jit3A_312 = arith.constant 195 : i32
          %max3A_313 = arith.maxsi %jit3A_311, %add3A_310 : i32
          %min3A_314 = arith.minsi %jit3A_312, %max3A_313 : i32
          %broadcast_in_dim3A_315 = vector.broadcast %min3A_314 : i32 to vector<16xi32>
          %gather3A_316 = tpu.vector_load_idx %arg4[%broadcast_in_dim3A, %broadcast_in_dim3A_146, %broadcast_in_dim3A_315] : memref<13x40x196xf32, #tpu.memory_space<vmem>>[vector<16xi32>, vector<16xi32>, vector<16xi32>], vector<16xf32>,
          %add3A_317 = arith.constant 0 : i32
          %add3A_318 = arith.addi %shift_right_arithmetic3A_106, %add3A_317 : i32
          %ge3A_319 = arith.constant 0 : i32
          %ge3A_320 = arith.cmpi sge, %add3A_318, %ge3A_319 : i32
          %add3A_321 = arith.constant 0 : i32
          %add3A_322 = arith.addi %shift_right_arithmetic3A_106, %add3A_321 : i32
          %lt3A_323 = arith.constant 14 : i32
          %lt3A_324 = arith.cmpi slt, %add3A_322, %lt3A_323 : i32
          %and3A_325 = arith.andi %ge3A_320, %lt3A_324 : i1
          %add3A_326 = arith.constant -1 : i32
          %add3A_327 = arith.addi %shift_right_arithmetic3A_137, %add3A_326 : i32
          %ge3A_328 = arith.constant 0 : i32
          %ge3A_329 = arith.cmpi sge, %add3A_327, %ge3A_328 : i32
          %add3A_330 = arith.constant -1 : i32
          %add3A_331 = arith.addi %shift_right_arithmetic3A_137, %add3A_330 : i32
          %lt3A_332 = arith.constant 14 : i32
          %lt3A_333 = arith.cmpi slt, %add3A_331, %lt3A_332 : i32
          %and3A_334 = arith.andi %ge3A_329, %lt3A_333 : i1
          %and3A_335 = arith.andi %and3A_325, %and3A_334 : i1
          %jit3A_336 = arith.constant 0.000000e+00 : f32
          %broadcast_in_dim3A_337 = vector.broadcast %jit3A_336 : f32 to vector<16xf32>
          %select_n3A_338 = arith.select %and3A_335, %gather3A_316, %broadcast_in_dim3A_337 : vector<16xf32>
          %gather3A_339 = tpu.vector_load_idx %arg4[%sub3A_116, %add3A_149, %broadcast_in_dim3A_315] : memref<13x40x196xf32, #tpu.memory_space<vmem>>[vector<16xi32>, vector<16xi32>, vector<16xi32>], vector<16xf32>,
          %mul3A_340 = arith.mulf %select_n3A_338, %gather3A_339 : vector<16xf32>
          %add3A_341 = arith.addf %add3A_294, %mul3A_340 : vector<16xf32>
          %gather3A_342 = tpu.vector_load_idx %arg4[%sub3A_120, %add3A_152, %broadcast_in_dim3A_315] : memref<13x40x196xf32, #tpu.memory_space<vmem>>[vector<16xi32>, vector<16xi32>, vector<16xi32>], vector<16xf32>,
          %mul3A_343 = arith.mulf %select_n3A_338, %gather3A_342 : vector<16xf32>
          %add3A_344 = arith.addf %add3A_297, %mul3A_343 : vector<16xf32>
          %gather3A_345 = tpu.vector_load_idx %arg4[%sub3A_124, %add3A_155, %broadcast_in_dim3A_315] : memref<13x40x196xf32, #tpu.memory_space<vmem>>[vector<16xi32>, vector<16xi32>, vector<16xi32>], vector<16xf32>,
          %mul3A_346 = arith.mulf %select_n3A_338, %gather3A_345 : vector<16xf32>
          %add3A_347 = arith.addf %add3A_300, %mul3A_346 : vector<16xf32>
          %gather3A_348 = tpu.vector_load_idx %arg4[%sub3A_128, %add3A_158, %broadcast_in_dim3A_315] : memref<13x40x196xf32, #tpu.memory_space<vmem>>[vector<16xi32>, vector<16xi32>, vector<16xi32>], vector<16xf32>,
          %mul3A_349 = arith.mulf %select_n3A_338, %gather3A_348 : vector<16xf32>
          %add3A_350 = arith.addf %add3A_303, %mul3A_349 : vector<16xf32>
          %add3A_351 = arith.constant 0 : i32
          %add3A_352 = arith.addi %shift_right_arithmetic3A_106, %add3A_351 : i32
          %mul3A_353 = arith.constant 14 : i32
          %mul3A_354 = arith.muli %add3A_352, %mul3A_353 : i32
          %add3A_355 = arith.addi %mul3A_354, %shift_right_arithmetic3A_137 : i32
          %add3A_356 = arith.constant 0 : i32
          %add3A_357 = arith.addi %add3A_355, %add3A_356 : i32
          %jit3A_358 = arith.constant 0 : i32
          %jit3A_359 = arith.constant 195 : i32
          %max3A_360 = arith.maxsi %jit3A_358, %add3A_357 : i32
          %min3A_361 = arith.minsi %jit3A_359, %max3A_360 : i32
          %broadcast_in_dim3A_362 = vector.broadcast %min3A_361 : i32 to vector<16xi32>
          %gather3A_363 = tpu.vector_load_idx %arg4[%broadcast_in_dim3A, %broadcast_in_dim3A_146, %broadcast_in_dim3A_362] : memref<13x40x196xf32, #tpu.memory_space<vmem>>[vector<16xi32>, vector<16xi32>, vector<16xi32>], vector<16xf32>,
          %add3A_364 = arith.constant 0 : i32
          %add3A_365 = arith.addi %shift_right_arithmetic3A_106, %add3A_364 : i32
          %ge3A_366 = arith.constant 0 : i32
          %ge3A_367 = arith.cmpi sge, %add3A_365, %ge3A_366 : i32
          %add3A_368 = arith.constant 0 : i32
          %add3A_369 = arith.addi %shift_right_arithmetic3A_106, %add3A_368 : i32
          %lt3A_370 = arith.constant 14 : i32
          %lt3A_371 = arith.cmpi slt, %add3A_369, %lt3A_370 : i32
          %and3A_372 = arith.andi %ge3A_367, %lt3A_371 : i1
          %add3A_373 = arith.constant 0 : i32
          %add3A_374 = arith.addi %shift_right_arithmetic3A_137, %add3A_373 : i32
          %ge3A_375 = arith.constant 0 : i32
          %ge3A_376 = arith.cmpi sge, %add3A_374, %ge3A_375 : i32
          %add3A_377 = arith.constant 0 : i32
          %add3A_378 = arith.addi %shift_right_arithmetic3A_137, %add3A_377 : i32
          %lt3A_379 = arith.constant 14 : i32
          %lt3A_380 = arith.cmpi slt, %add3A_378, %lt3A_379 : i32
          %and3A_381 = arith.andi %ge3A_376, %lt3A_380 : i1
          %and3A_382 = arith.andi %and3A_372, %and3A_381 : i1
          %jit3A_383 = arith.constant 0.000000e+00 : f32
          %broadcast_in_dim3A_384 = vector.broadcast %jit3A_383 : f32 to vector<16xf32>
          %select_n3A_385 = arith.select %and3A_382, %gather3A_363, %broadcast_in_dim3A_384 : vector<16xf32>
          %gather3A_386 = tpu.vector_load_idx %arg4[%sub3A_116, %add3A_149, %broadcast_in_dim3A_362] : memref<13x40x196xf32, #tpu.memory_space<vmem>>[vector<16xi32>, vector<16xi32>, vector<16xi32>], vector<16xf32>,
          %mul3A_387 = arith.mulf %select_n3A_385, %gather3A_386 : vector<16xf32>
          %add3A_388 = arith.addf %add3A_341, %mul3A_387 : vector<16xf32>
          %gather3A_389 = tpu.vector_load_idx %arg4[%sub3A_120, %add3A_152, %broadcast_in_dim3A_362] : memref<13x40x196xf32, #tpu.memory_space<vmem>>[vector<16xi32>, vector<16xi32>, vector<16xi32>], vector<16xf32>,
          %mul3A_390 = arith.mulf %select_n3A_385, %gather3A_389 : vector<16xf32>
          %add3A_391 = arith.addf %add3A_344, %mul3A_390 : vector<16xf32>
          %gather3A_392 = tpu.vector_load_idx %arg4[%sub3A_124, %add3A_155, %broadcast_in_dim3A_362] : memref<13x40x196xf32, #tpu.memory_space<vmem>>[vector<16xi32>, vector<16xi32>, vector<16xi32>], vector<16xf32>,
          %mul3A_393 = arith.mulf %select_n3A_385, %gather3A_392 : vector<16xf32>
          %add3A_394 = arith.addf %add3A_347, %mul3A_393 : vector<16xf32>
          %gather3A_395 = tpu.vector_load_idx %arg4[%sub3A_128, %add3A_158, %broadcast_in_dim3A_362] : memref<13x40x196xf32, #tpu.memory_space<vmem>>[vector<16xi32>, vector<16xi32>, vector<16xi32>], vector<16xf32>,
          %mul3A_396 = arith.mulf %select_n3A_385, %gather3A_395 : vector<16xf32>
          %add3A_397 = arith.addf %add3A_350, %mul3A_396 : vector<16xf32>
          %add3A_398 = arith.constant 0 : i32
          %add3A_399 = arith.addi %shift_right_arithmetic3A_106, %add3A_398 : i32
          %mul3A_400 = arith.constant 14 : i32
          %mul3A_401 = arith.muli %add3A_399, %mul3A_400 : i32
          %add3A_402 = arith.addi %mul3A_401, %shift_right_arithmetic3A_137 : i32
          %add3A_403 = arith.constant 1 : i32
          %add3A_404 = arith.addi %add3A_402, %add3A_403 : i32
          %jit3A_405 = arith.constant 0 : i32
          %jit3A_406 = arith.constant 195 : i32
          %max3A_407 = arith.maxsi %jit3A_405, %add3A_404 : i32
          %min3A_408 = arith.minsi %jit3A_406, %max3A_407 : i32
          %broadcast_in_dim3A_409 = vector.broadcast %min3A_408 : i32 to vector<16xi32>
          %gather3A_410 = tpu.vector_load_idx %arg4[%broadcast_in_dim3A, %broadcast_in_dim3A_146, %broadcast_in_dim3A_409] : memref<13x40x196xf32, #tpu.memory_space<vmem>>[vector<16xi32>, vector<16xi32>, vector<16xi32>], vector<16xf32>,
          %add3A_411 = arith.constant 0 : i32
          %add3A_412 = arith.addi %shift_right_arithmetic3A_106, %add3A_411 : i32
          %ge3A_413 = arith.constant 0 : i32
          %ge3A_414 = arith.cmpi sge, %add3A_412, %ge3A_413 : i32
          %add3A_415 = arith.constant 0 : i32
          %add3A_416 = arith.addi %shift_right_arithmetic3A_106, %add3A_415 : i32
          %lt3A_417 = arith.constant 14 : i32
          %lt3A_418 = arith.cmpi slt, %add3A_416, %lt3A_417 : i32
          %and3A_419 = arith.andi %ge3A_414, %lt3A_418 : i1
          %add3A_420 = arith.constant 1 : i32
          %add3A_421 = arith.addi %shift_right_arithmetic3A_137, %add3A_420 : i32
          %ge3A_422 = arith.constant 0 : i32
          %ge3A_423 = arith.cmpi sge, %add3A_421, %ge3A_422 : i32
          %add3A_424 = arith.constant 1 : i32
          %add3A_425 = arith.addi %shift_right_arithmetic3A_137, %add3A_424 : i32
          %lt3A_426 = arith.constant 14 : i32
          %lt3A_427 = arith.cmpi slt, %add3A_425, %lt3A_426 : i32
          %and3A_428 = arith.andi %ge3A_423, %lt3A_427 : i1
          %and3A_429 = arith.andi %and3A_419, %and3A_428 : i1
          %jit3A_430 = arith.constant 0.000000e+00 : f32
          %broadcast_in_dim3A_431 = vector.broadcast %jit3A_430 : f32 to vector<16xf32>
          %select_n3A_432 = arith.select %and3A_429, %gather3A_410, %broadcast_in_dim3A_431 : vector<16xf32>
          %gather3A_433 = tpu.vector_load_idx %arg4[%sub3A_116, %add3A_149, %broadcast_in_dim3A_409] : memref<13x40x196xf32, #tpu.memory_space<vmem>>[vector<16xi32>, vector<16xi32>, vector<16xi32>], vector<16xf32>,
          %mul3A_434 = arith.mulf %select_n3A_432, %gather3A_433 : vector<16xf32>
          %add3A_435 = arith.addf %add3A_388, %mul3A_434 : vector<16xf32>
          %gather3A_436 = tpu.vector_load_idx %arg4[%sub3A_120, %add3A_152, %broadcast_in_dim3A_409] : memref<13x40x196xf32, #tpu.memory_space<vmem>>[vector<16xi32>, vector<16xi32>, vector<16xi32>], vector<16xf32>,
          %mul3A_437 = arith.mulf %select_n3A_432, %gather3A_436 : vector<16xf32>
          %add3A_438 = arith.addf %add3A_391, %mul3A_437 : vector<16xf32>
          %gather3A_439 = tpu.vector_load_idx %arg4[%sub3A_124, %add3A_155, %broadcast_in_dim3A_409] : memref<13x40x196xf32, #tpu.memory_space<vmem>>[vector<16xi32>, vector<16xi32>, vector<16xi32>], vector<16xf32>,
          %mul3A_440 = arith.mulf %select_n3A_432, %gather3A_439 : vector<16xf32>
          %add3A_441 = arith.addf %add3A_394, %mul3A_440 : vector<16xf32>
          %gather3A_442 = tpu.vector_load_idx %arg4[%sub3A_128, %add3A_158, %broadcast_in_dim3A_409] : memref<13x40x196xf32, #tpu.memory_space<vmem>>[vector<16xi32>, vector<16xi32>, vector<16xi32>], vector<16xf32>,
          %mul3A_443 = arith.mulf %select_n3A_432, %gather3A_442 : vector<16xf32>
          %add3A_444 = arith.addf %add3A_397, %mul3A_443 : vector<16xf32>
          %add3A_445 = arith.constant 1 : i32
          %add3A_446 = arith.addi %shift_right_arithmetic3A_106, %add3A_445 : i32
          %mul3A_447 = arith.constant 14 : i32
          %mul3A_448 = arith.muli %add3A_446, %mul3A_447 : i32
          %add3A_449 = arith.addi %mul3A_448, %shift_right_arithmetic3A_137 : i32
          %add3A_450 = arith.constant -1 : i32
          %add3A_451 = arith.addi %add3A_449, %add3A_450 : i32
          %jit3A_452 = arith.constant 0 : i32
          %jit3A_453 = arith.constant 195 : i32
          %max3A_454 = arith.maxsi %jit3A_452, %add3A_451 : i32
          %min3A_455 = arith.minsi %jit3A_453, %max3A_454 : i32
          %broadcast_in_dim3A_456 = vector.broadcast %min3A_455 : i32 to vector<16xi32>
          %gather3A_457 = tpu.vector_load_idx %arg4[%broadcast_in_dim3A, %broadcast_in_dim3A_146, %broadcast_in_dim3A_456] : memref<13x40x196xf32, #tpu.memory_space<vmem>>[vector<16xi32>, vector<16xi32>, vector<16xi32>], vector<16xf32>,
          %add3A_458 = arith.constant 1 : i32
          %add3A_459 = arith.addi %shift_right_arithmetic3A_106, %add3A_458 : i32
          %ge3A_460 = arith.constant 0 : i32
          %ge3A_461 = arith.cmpi sge, %add3A_459, %ge3A_460 : i32
          %add3A_462 = arith.constant 1 : i32
          %add3A_463 = arith.addi %shift_right_arithmetic3A_106, %add3A_462 : i32
          %lt3A_464 = arith.constant 14 : i32
          %lt3A_465 = arith.cmpi slt, %add3A_463, %lt3A_464 : i32
          %and3A_466 = arith.andi %ge3A_461, %lt3A_465 : i1
          %add3A_467 = arith.constant -1 : i32
          %add3A_468 = arith.addi %shift_right_arithmetic3A_137, %add3A_467 : i32
          %ge3A_469 = arith.constant 0 : i32
          %ge3A_470 = arith.cmpi sge, %add3A_468, %ge3A_469 : i32
          %add3A_471 = arith.constant -1 : i32
          %add3A_472 = arith.addi %shift_right_arithmetic3A_137, %add3A_471 : i32
          %lt3A_473 = arith.constant 14 : i32
          %lt3A_474 = arith.cmpi slt, %add3A_472, %lt3A_473 : i32
          %and3A_475 = arith.andi %ge3A_470, %lt3A_474 : i1
          %and3A_476 = arith.andi %and3A_466, %and3A_475 : i1
          %jit3A_477 = arith.constant 0.000000e+00 : f32
          %broadcast_in_dim3A_478 = vector.broadcast %jit3A_477 : f32 to vector<16xf32>
          %select_n3A_479 = arith.select %and3A_476, %gather3A_457, %broadcast_in_dim3A_478 : vector<16xf32>
          %gather3A_480 = tpu.vector_load_idx %arg4[%sub3A_116, %add3A_149, %broadcast_in_dim3A_456] : memref<13x40x196xf32, #tpu.memory_space<vmem>>[vector<16xi32>, vector<16xi32>, vector<16xi32>], vector<16xf32>,
          %mul3A_481 = arith.mulf %select_n3A_479, %gather3A_480 : vector<16xf32>
          %add3A_482 = arith.addf %add3A_435, %mul3A_481 : vector<16xf32>
          %gather3A_483 = tpu.vector_load_idx %arg4[%sub3A_120, %add3A_152, %broadcast_in_dim3A_456] : memref<13x40x196xf32, #tpu.memory_space<vmem>>[vector<16xi32>, vector<16xi32>, vector<16xi32>], vector<16xf32>,
          %mul3A_484 = arith.mulf %select_n3A_479, %gather3A_483 : vector<16xf32>
          %add3A_485 = arith.addf %add3A_438, %mul3A_484 : vector<16xf32>
          %gather3A_486 = tpu.vector_load_idx %arg4[%sub3A_124, %add3A_155, %broadcast_in_dim3A_456] : memref<13x40x196xf32, #tpu.memory_space<vmem>>[vector<16xi32>, vector<16xi32>, vector<16xi32>], vector<16xf32>,
          %mul3A_487 = arith.mulf %select_n3A_479, %gather3A_486 : vector<16xf32>
          %add3A_488 = arith.addf %add3A_441, %mul3A_487 : vector<16xf32>
          %gather3A_489 = tpu.vector_load_idx %arg4[%sub3A_128, %add3A_158, %broadcast_in_dim3A_456] : memref<13x40x196xf32, #tpu.memory_space<vmem>>[vector<16xi32>, vector<16xi32>, vector<16xi32>], vector<16xf32>,
          %mul3A_490 = arith.mulf %select_n3A_479, %gather3A_489 : vector<16xf32>
          %add3A_491 = arith.addf %add3A_444, %mul3A_490 : vector<16xf32>
          %add3A_492 = arith.constant 1 : i32
          %add3A_493 = arith.addi %shift_right_arithmetic3A_106, %add3A_492 : i32
          %mul3A_494 = arith.constant 14 : i32
          %mul3A_495 = arith.muli %add3A_493, %mul3A_494 : i32
          %add3A_496 = arith.addi %mul3A_495, %shift_right_arithmetic3A_137 : i32
          %add3A_497 = arith.constant 0 : i32
          %add3A_498 = arith.addi %add3A_496, %add3A_497 : i32
          %jit3A_499 = arith.constant 0 : i32
          %jit3A_500 = arith.constant 195 : i32
          %max3A_501 = arith.maxsi %jit3A_499, %add3A_498 : i32
          %min3A_502 = arith.minsi %jit3A_500, %max3A_501 : i32
          %broadcast_in_dim3A_503 = vector.broadcast %min3A_502 : i32 to vector<16xi32>
          %gather3A_504 = tpu.vector_load_idx %arg4[%broadcast_in_dim3A, %broadcast_in_dim3A_146, %broadcast_in_dim3A_503] : memref<13x40x196xf32, #tpu.memory_space<vmem>>[vector<16xi32>, vector<16xi32>, vector<16xi32>], vector<16xf32>,
          %add3A_505 = arith.constant 1 : i32
          %add3A_506 = arith.addi %shift_right_arithmetic3A_106, %add3A_505 : i32
          %ge3A_507 = arith.constant 0 : i32
          %ge3A_508 = arith.cmpi sge, %add3A_506, %ge3A_507 : i32
          %add3A_509 = arith.constant 1 : i32
          %add3A_510 = arith.addi %shift_right_arithmetic3A_106, %add3A_509 : i32
          %lt3A_511 = arith.constant 14 : i32
          %lt3A_512 = arith.cmpi slt, %add3A_510, %lt3A_511 : i32
          %and3A_513 = arith.andi %ge3A_508, %lt3A_512 : i1
          %add3A_514 = arith.constant 0 : i32
          %add3A_515 = arith.addi %shift_right_arithmetic3A_137, %add3A_514 : i32
          %ge3A_516 = arith.constant 0 : i32
          %ge3A_517 = arith.cmpi sge, %add3A_515, %ge3A_516 : i32
          %add3A_518 = arith.constant 0 : i32
          %add3A_519 = arith.addi %shift_right_arithmetic3A_137, %add3A_518 : i32
          %lt3A_520 = arith.constant 14 : i32
          %lt3A_521 = arith.cmpi slt, %add3A_519, %lt3A_520 : i32
          %and3A_522 = arith.andi %ge3A_517, %lt3A_521 : i1
          %and3A_523 = arith.andi %and3A_513, %and3A_522 : i1
          %jit3A_524 = arith.constant 0.000000e+00 : f32
          %broadcast_in_dim3A_525 = vector.broadcast %jit3A_524 : f32 to vector<16xf32>
          %select_n3A_526 = arith.select %and3A_523, %gather3A_504, %broadcast_in_dim3A_525 : vector<16xf32>
          %gather3A_527 = tpu.vector_load_idx %arg4[%sub3A_116, %add3A_149, %broadcast_in_dim3A_503] : memref<13x40x196xf32, #tpu.memory_space<vmem>>[vector<16xi32>, vector<16xi32>, vector<16xi32>], vector<16xf32>,
          %mul3A_528 = arith.mulf %select_n3A_526, %gather3A_527 : vector<16xf32>
          %add3A_529 = arith.addf %add3A_482, %mul3A_528 : vector<16xf32>
          %gather3A_530 = tpu.vector_load_idx %arg4[%sub3A_120, %add3A_152, %broadcast_in_dim3A_503] : memref<13x40x196xf32, #tpu.memory_space<vmem>>[vector<16xi32>, vector<16xi32>, vector<16xi32>], vector<16xf32>,
          %mul3A_531 = arith.mulf %select_n3A_526, %gather3A_530 : vector<16xf32>
          %add3A_532 = arith.addf %add3A_485, %mul3A_531 : vector<16xf32>
          %gather3A_533 = tpu.vector_load_idx %arg4[%sub3A_124, %add3A_155, %broadcast_in_dim3A_503] : memref<13x40x196xf32, #tpu.memory_space<vmem>>[vector<16xi32>, vector<16xi32>, vector<16xi32>], vector<16xf32>,
          %mul3A_534 = arith.mulf %select_n3A_526, %gather3A_533 : vector<16xf32>
          %add3A_535 = arith.addf %add3A_488, %mul3A_534 : vector<16xf32>
          %gather3A_536 = tpu.vector_load_idx %arg4[%sub3A_128, %add3A_158, %broadcast_in_dim3A_503] : memref<13x40x196xf32, #tpu.memory_space<vmem>>[vector<16xi32>, vector<16xi32>, vector<16xi32>], vector<16xf32>,
          %mul3A_537 = arith.mulf %select_n3A_526, %gather3A_536 : vector<16xf32>
          %add3A_538 = arith.addf %add3A_491, %mul3A_537 : vector<16xf32>
          %add3A_539 = arith.constant 1 : i32
          %add3A_540 = arith.addi %shift_right_arithmetic3A_106, %add3A_539 : i32
          %mul3A_541 = arith.constant 14 : i32
          %mul3A_542 = arith.muli %add3A_540, %mul3A_541 : i32
          %add3A_543 = arith.addi %mul3A_542, %shift_right_arithmetic3A_137 : i32
          %add3A_544 = arith.constant 1 : i32
          %add3A_545 = arith.addi %add3A_543, %add3A_544 : i32
          %jit3A_546 = arith.constant 0 : i32
          %jit3A_547 = arith.constant 195 : i32
          %max3A_548 = arith.maxsi %jit3A_546, %add3A_545 : i32
          %min3A_549 = arith.minsi %jit3A_547, %max3A_548 : i32
          %broadcast_in_dim3A_550 = vector.broadcast %min3A_549 : i32 to vector<16xi32>
          %gather3A_551 = tpu.vector_load_idx %arg4[%broadcast_in_dim3A, %broadcast_in_dim3A_146, %broadcast_in_dim3A_550] : memref<13x40x196xf32, #tpu.memory_space<vmem>>[vector<16xi32>, vector<16xi32>, vector<16xi32>], vector<16xf32>,
          %add3A_552 = arith.constant 1 : i32
          %add3A_553 = arith.addi %shift_right_arithmetic3A_106, %add3A_552 : i32
          %ge3A_554 = arith.constant 0 : i32
          %ge3A_555 = arith.cmpi sge, %add3A_553, %ge3A_554 : i32
          %add3A_556 = arith.constant 1 : i32
          %add3A_557 = arith.addi %shift_right_arithmetic3A_106, %add3A_556 : i32
          %lt3A_558 = arith.constant 14 : i32
          %lt3A_559 = arith.cmpi slt, %add3A_557, %lt3A_558 : i32
          %and3A_560 = arith.andi %ge3A_555, %lt3A_559 : i1
          %add3A_561 = arith.constant 1 : i32
          %add3A_562 = arith.addi %shift_right_arithmetic3A_137, %add3A_561 : i32
          %ge3A_563 = arith.constant 0 : i32
          %ge3A_564 = arith.cmpi sge, %add3A_562, %ge3A_563 : i32
          %add3A_565 = arith.constant 1 : i32
          %add3A_566 = arith.addi %shift_right_arithmetic3A_137, %add3A_565 : i32
          %lt3A_567 = arith.constant 14 : i32
          %lt3A_568 = arith.cmpi slt, %add3A_566, %lt3A_567 : i32
          %and3A_569 = arith.andi %ge3A_564, %lt3A_568 : i1
          %and3A_570 = arith.andi %and3A_560, %and3A_569 : i1
          %jit3A_571 = arith.constant 0.000000e+00 : f32
          %broadcast_in_dim3A_572 = vector.broadcast %jit3A_571 : f32 to vector<16xf32>
          %select_n3A_573 = arith.select %and3A_570, %gather3A_551, %broadcast_in_dim3A_572 : vector<16xf32>
          %gather3A_574 = tpu.vector_load_idx %arg4[%sub3A_116, %add3A_149, %broadcast_in_dim3A_550] : memref<13x40x196xf32, #tpu.memory_space<vmem>>[vector<16xi32>, vector<16xi32>, vector<16xi32>], vector<16xf32>,
          %mul3A_575 = arith.mulf %select_n3A_573, %gather3A_574 : vector<16xf32>
          %add3A_576 = arith.addf %add3A_529, %mul3A_575 : vector<16xf32>
          %gather3A_577 = tpu.vector_load_idx %arg4[%sub3A_120, %add3A_152, %broadcast_in_dim3A_550] : memref<13x40x196xf32, #tpu.memory_space<vmem>>[vector<16xi32>, vector<16xi32>, vector<16xi32>], vector<16xf32>,
          %mul3A_578 = arith.mulf %select_n3A_573, %gather3A_577 : vector<16xf32>
          %add3A_579 = arith.addf %add3A_532, %mul3A_578 : vector<16xf32>
          %gather3A_580 = tpu.vector_load_idx %arg4[%sub3A_124, %add3A_155, %broadcast_in_dim3A_550] : memref<13x40x196xf32, #tpu.memory_space<vmem>>[vector<16xi32>, vector<16xi32>, vector<16xi32>], vector<16xf32>,
          %mul3A_581 = arith.mulf %select_n3A_573, %gather3A_580 : vector<16xf32>
          %add3A_582 = arith.addf %add3A_535, %mul3A_581 : vector<16xf32>
          %gather3A_583 = tpu.vector_load_idx %arg4[%sub3A_128, %add3A_158, %broadcast_in_dim3A_550] : memref<13x40x196xf32, #tpu.memory_space<vmem>>[vector<16xi32>, vector<16xi32>, vector<16xi32>], vector<16xf32>,
          %mul3A_584 = arith.mulf %select_n3A_573, %gather3A_583 : vector<16xf32>
          %add3A_585 = arith.addf %add3A_538, %mul3A_584 : vector<16xf32>
          %swap3A = arith.index_cast %scan3A_103 : i32 to index
          %swap3A_586 = arith.index_cast %scan3A_134 : i32 to index
          %swap3A_587 = arith.constant 0 : index
          %swap3A_588 = tpu.vector_load %arg5[%swap3A, %swap3A_586, %swap3A_587] {strides = array<i32>} : memref<7x28x64xf32, #tpu.memory_space<vmem>>, vector<16xf32>,
          tpu.vector_store %arg5[%swap3A, %swap3A_586, %swap3A_587], %add3A_576 {strides = array<i32>} : memref<7x28x64xf32, #tpu.memory_space<vmem>>, vector<16xf32>,
          %swap3A_589 = arith.index_cast %scan3A_103 : i32 to index
          %swap3A_590 = arith.index_cast %scan3A_134 : i32 to index
          %swap3A_591 = arith.constant 16 : index
          %swap3A_592 = tpu.vector_load %arg5[%swap3A_589, %swap3A_590, %swap3A_591] {strides = array<i32>} : memref<7x28x64xf32, #tpu.memory_space<vmem>>, vector<16xf32>,
          tpu.vector_store %arg5[%swap3A_589, %swap3A_590, %swap3A_591], %add3A_579 {strides = array<i32>} : memref<7x28x64xf32, #tpu.memory_space<vmem>>, vector<16xf32>,
          %swap3A_593 = arith.index_cast %scan3A_103 : i32 to index
          %swap3A_594 = arith.index_cast %scan3A_134 : i32 to index
          %swap3A_595 = arith.constant 32 : index
          %swap3A_596 = tpu.vector_load %arg5[%swap3A_593, %swap3A_594, %swap3A_595] {strides = array<i32>} : memref<7x28x64xf32, #tpu.memory_space<vmem>>, vector<16xf32>,
          tpu.vector_store %arg5[%swap3A_593, %swap3A_594, %swap3A_595], %add3A_582 {strides = array<i32>} : memref<7x28x64xf32, #tpu.memory_space<vmem>>, vector<16xf32>,
          %swap3A_597 = arith.index_cast %scan3A_103 : i32 to index
          %swap3A_598 = arith.index_cast %scan3A_134 : i32 to index
          %swap3A_599 = arith.constant 48 : index
          %swap3A_600 = tpu.vector_load %arg5[%swap3A_597, %swap3A_598, %swap3A_599] {strides = array<i32>} : memref<7x28x64xf32, #tpu.memory_space<vmem>>, vector<16xf32>,
          tpu.vector_store %arg5[%swap3A_597, %swap3A_598, %swap3A_599], %add3A_585 {strides = array<i32>} : memref<7x28x64xf32, #tpu.memory_space<vmem>>, vector<16xf32>,
        }
        %scan3A_133 = arith.constant 28 : i32
      }
      %scan3A_102 = arith.constant 7 : i32
      "tpu.region"() ({
        %run_scoped3A = tpu.sem_alloc : memref<!tpu.dma_semaphore, #tpu.memory_space<semaphore_mem>>
        %dma_start3A = arith.constant 0 : i32
        %dma_start3A_103 = tpu.memref_slice %arg3[%shift_right_arithmetic3A_1, %add3A_80, %mul3A_77, %dma_start3A] : memref<2x224x224x64xf32, #tpu.memory_space<hbm>> -> memref<1x7x28x64xf32, #tpu.memory_space<hbm>>
        %dma_start3A_104 = tpu.memref_squeeze %dma_start3A_103 : memref<1x7x28x64xf32, #tpu.memory_space<hbm>> -> memref<7x28x64xf32, #tpu.memory_space<hbm>>
        %dma_start3A_105 = arith.constant 0 : i32
        %dma_start3A_106 = tpu.memref_slice %arg3[%shift_right_arithmetic3A_1, %add3A_80, %mul3A_77, %dma_start3A_105] : memref<2x224x224x64xf32, #tpu.memory_space<hbm>> -> memref<1x7x28x64xf32, #tpu.memory_space<hbm>>
        %dma_start3A_107 = tpu.memref_squeeze %dma_start3A_106 : memref<1x7x28x64xf32, #tpu.memory_space<hbm>> -> memref<7x28x64xf32, #tpu.memory_space<hbm>>
        tpu.enqueue_dma source(%arg5 : memref<7x28x64xf32, #tpu.memory_space<vmem>>) target(%dma_start3A_107 : memref<7x28x64xf32, #tpu.memory_space<hbm>>) target_semaphore(%run_scoped3A : memref<!tpu.dma_semaphore, #tpu.memory_space<semaphore_mem>>)
        %dma_wait3A = arith.constant 0 : i32
        %dma_wait3A_108 = tpu.memref_slice %arg3[%shift_right_arithmetic3A_1, %add3A_80, %mul3A_77, %dma_wait3A] : memref<2x224x224x64xf32, #tpu.memory_space<hbm>> -> memref<1x7x28x64xf32, #tpu.memory_space<hbm>>
        %dma_wait3A_109 = tpu.memref_squeeze %dma_wait3A_108 : memref<1x7x28x64xf32, #tpu.memory_space<hbm>> -> memref<7x28x64xf32, #tpu.memory_space<hbm>>
        %dma_wait3A_110 = arith.constant 0 : i32
        %dma_wait3A_111 = tpu.memref_slice %arg3[%shift_right_arithmetic3A_1, %add3A_80, %mul3A_77, %dma_wait3A_110] : memref<2x224x224x64xf32, #tpu.memory_space<hbm>> -> memref<1x7x28x64xf32, #tpu.memory_space<hbm>>
        %dma_wait3A_112 = tpu.memref_squeeze %dma_wait3A_111 : memref<1x7x28x64xf32, #tpu.memory_space<hbm>> -> memref<7x28x64xf32, #tpu.memory_space<hbm>>
        tpu.wait_dma2 semaphore(%run_scoped3A : memref<!tpu.dma_semaphore, #tpu.memory_space<semaphore_mem>>) src(%arg5 : memref<7x28x64xf32, #tpu.memory_space<vmem>>) dst(%dma_wait3A_112 : memref<7x28x64xf32, #tpu.memory_space<hbm>>)
        tpu.yield
      }) : () -> ()
    }
    %scan3A_70 = arith.constant 16 : i32
    return
  }
}

module attributes {stable_mosaic.version = 14 : i64} {
  func.func @_fuse_tc_kernel(%arg0: i32, %arg1: i32, %arg2: i32, %arg3: memref<1x1x16x224x49xf32, #tpu.memory_space<vmem>>, %arg4: memref<1x16x224x64xf32, #tpu.memory_space<vmem>>, %arg5: memref<1x1x16x224x49xf32, #tpu.memory_space<vmem>>) attributes {dimension_semantics = [#tpu.dimension_semantics<arbitrary>, #tpu.dimension_semantics<arbitrary>, #tpu.dimension_semantics<arbitrary>], iteration_bounds = array<i64: 2, 14, 4>, scalar_prefetch = 0 : i64, scratch_operands = 0 : i64, tpu.core_type = #tpu.core_type<tc>, window_params = [{transform_indices = @transform_0, window_bounds = array<i64: 1, 1, 16, 224, 49>}, {transform_indices = @transform_1, window_bounds = array<i64: 1, 16, 224, 64>}, {transform_indices = @transform_2, window_bounds = array<i64: 1, 1, 16, 224, 49>}]} {
    %get3A = arith.constant 0 : index
    %get3A_0 = arith.constant 0 : index
    %get3A_1 = arith.constant 0 : index
    %get3A_2 = arith.constant 0 : index
    %get3A_3 = arith.constant 0 : index
    %get3A_4 = vector.load %arg3[%get3A, %get3A_0, %get3A_1, %get3A_2, %get3A_3] : memref<1x1x16x224x49xf32, #tpu.memory_space<vmem>>, vector<1x1x16x224x49xf32>
    %get3A_5 = vector.shape_cast %get3A_4 : vector<1x1x16x224x49xf32> to vector<16x224x49xf32>
    %reduce_max3A = arith.constant dense<0xFF800000> : vector<16x224xf32>
    %reduce_max3A_6 = vector.multi_reduction <maximumf>, %get3A_5, %reduce_max3A [2] : vector<16x224x49xf32> to vector<16x224xf32>
    %broadcast_in_dim3A = vector.shape_cast %reduce_max3A_6 : vector<16x224xf32> to vector<16x224x1xf32>
    %sub3A = vector.broadcast %broadcast_in_dim3A : vector<16x224x1xf32> to vector<16x224x49xf32>
    %sub3A_7 = arith.subf %get3A_5, %sub3A : vector<16x224x49xf32>
    %exp3A = math.exp %sub3A_7 : vector<16x224x49xf32>
    %get3A_8 = arith.constant 0 : index
    %get3A_9 = arith.constant 0 : index
    %get3A_10 = arith.constant 0 : index
    %get3A_11 = arith.constant 0 : index
    %get3A_12 = vector.load %arg4[%get3A_8, %get3A_9, %get3A_10, %get3A_11] : memref<1x16x224x64xf32, #tpu.memory_space<vmem>>, vector<1x16x224x64xf32>
    %get3A_13 = vector.shape_cast %get3A_12 : vector<1x16x224x64xf32> to vector<16x224x64xf32>
    %slice3A = vector.extract_strided_slice %get3A_13 {offsets = [0, 0, 0], sizes = [16, 224, 49], strides = [1, 1, 1]} : vector<16x224x64xf32> to vector<16x224x49xf32>
    %mul3A = arith.mulf %exp3A, %slice3A : vector<16x224x49xf32>
    %reduce_sum3A = arith.constant dense<0.000000e+00> : vector<16x224xf32>
    %reduce_sum3A_14 = vector.multi_reduction <add>, %mul3A, %reduce_sum3A [2] : vector<16x224x49xf32> to vector<16x224xf32>
    %broadcast_in_dim3A_15 = vector.shape_cast %reduce_sum3A_14 : vector<16x224xf32> to vector<16x224x1xf32>
    %add3A = arith.constant 1.000000e-15 : f32
    %add3A_16 = vector.broadcast %add3A : f32 to vector<16x224x1xf32>
    %add3A_17 = arith.addf %add3A_16, %broadcast_in_dim3A_15 : vector<16x224x1xf32>
    %div3A = arith.constant 1.000000e+00 : f32
    %div3A_18 = vector.broadcast %div3A : f32 to vector<16x224x1xf32>
    %div3A_19 = arith.divf %div3A_18, %add3A_17 : vector<16x224x1xf32>
    %mul3A_20 = vector.broadcast %div3A_19 : vector<16x224x1xf32> to vector<16x224x49xf32>
    %mul3A_21 = arith.mulf %mul3A, %mul3A_20 : vector<16x224x49xf32>
    %swap3A = arith.constant 0 : index
    %swap3A_22 = arith.constant 0 : index
    %swap3A_23 = arith.constant 0 : index
    %swap3A_24 = arith.constant 0 : index
    %swap3A_25 = arith.constant 0 : index
    %swap3A_26 = vector.load %arg5[%swap3A, %swap3A_22, %swap3A_23, %swap3A_24, %swap3A_25] : memref<1x1x16x224x49xf32, #tpu.memory_space<vmem>>, vector<1x1x16x224x49xf32>
    %swap3A_27 = vector.shape_cast %swap3A_26 : vector<1x1x16x224x49xf32> to vector<16x224x49xf32>
    %swap3A_28 = vector.shape_cast %mul3A_21 : vector<16x224x49xf32> to vector<1x1x16x224x49xf32>
    tpu.vector_store %arg5[%swap3A, %swap3A_22, %swap3A_23, %swap3A_24, %swap3A_25], %swap3A_28 {strides = array<i32>} : memref<1x1x16x224x49xf32, #tpu.memory_space<vmem>>, vector<1x1x16x224x49xf32>,
    return
  }
  func.func @transform_0(%arg0: i32, %arg1: i32, %arg2: i32) -> (i32, i32, i32, i32, i32) {
    %c0_i32 = arith.constant 0 : i32
    %c0_i32_0 = arith.constant 0 : i32
    %c0_i32_1 = arith.constant 0 : i32
    return %arg0, %arg2, %arg1, %c0_i32, %c0_i32_0 : i32, i32, i32, i32, i32
  }
  func.func @transform_1(%arg0: i32, %arg1: i32, %arg2: i32) -> (i32, i32, i32, i32) {
    %c0_i32 = arith.constant 0 : i32
    %c0_i32_0 = arith.constant 0 : i32
    %c0_i32_1 = arith.constant 0 : i32
    return %arg0, %arg1, %c0_i32, %c0_i32_0 : i32, i32, i32, i32
  }
  func.func @transform_2(%arg0: i32, %arg1: i32, %arg2: i32) -> (i32, i32, i32, i32, i32) {
    %c0_i32 = arith.constant 0 : i32
    %c0_i32_0 = arith.constant 0 : i32
    %c0_i32_1 = arith.constant 0 : i32
    return %arg0, %arg2, %arg1, %c0_i32, %c0_i32_0 : i32, i32, i32, i32, i32
  }
}

</mosaic_0001>

<sc_bundles>
// kernel: kernel.4.cloned.1.call-start
scs
__scs_entry_jumppad:
0x0: {  	(pc) =	sbr.rel $0x88, $3  }
0x1: {  	(tag) =	ssettag $0x0;
	lr =	simm.s32 $0x1  }
0x2: {  	[smem:$0x3F9F] =	sst lr;
	_ =	strace $0xD0000000  }
0x3: {  	_ = 	snop  }
0x4: {  	_ = 	snop  }
0x5: {  	_ = 	snop  }
0x6: {  	_ = 	snop  }
0x7: {  	_ = 	snop  }
__scs_overlays_trampoline_lowered:
0x8: {  	[smem:$0x3FAE] =	sst s0  }
0x9: {  	[smem:$0x3FAF] =	sst s1  }
0xa: {  	[smem:$0x3FB0] =	sst s2  }
0xb: {  	[smem:$0x3FB1] =	sst s3  }
0xc: {  	[smem:$0x3FB2] =	sst s4  }
0xd: {  	[smem:$0x3FB3] =	sst s5  }
0xe: {  	[smem:$0x3FB4] =	sst s6  }
0xf: {  	[smem:$0x3FB5] =	sst s7  }
0x10: {  	[smem:$0x3FB6] =	sst s8  }
0x11: {  	[smem:$0x3FB7] =	sst s9;
	s0 =	simm.s32 @!p0 $0x0  }
0x12: {  	s1 =	sld [smem:$0x3F9D];
	s0 =	simm.s32 @p0 $0x1  }
0x13: {  	[smem:$0x3FB8] =	sst s0;
	s0 =	simm.s32 @!p1 $0x0  }
0x14: {  	s2 =	sld [smem:$0x3F9C];
	s0 =	simm.s32 @p1 $0x1  }
0x15: {  	[smem:$0x3FB9] =	sst s0;
	s0 =	simm.s32 @!p2 $0x0  }
0x16: {  	s3 =	sld [smem:$0x3FDB];
	s0 =	simm.s32 @p2 $0x1  }
0x17: {  	s4 =	simm.s32 $0x1BF5;
	[smem:$0x3FBB] =	sst s0  }
0x18: {  	s0 =	sld [smem:$0x3F9E];
	_ =	swait.ge [sflag:s4], $0x0  }
0x19: {  	s7 =	sld [smem:$0x3F9F]  }
0x1a: {  	s8 =	sadd.s32 $0xFFFFE003, lr  }
0x1b: {  	s9 =	sadd.s32 $0xFFFFFEF7, lr;
	s5 =	simm.s32 $0xFFFFFFFF;
	p2 =	slt.u32 s8, $0xFFFFF086  }
0x1c: {  	p1 =	slt.u32 s9, $0xF7A;
	s5 =	simm.s32 @!p2 $0x0  }
0x1d: {  	s5 =	simm.s32 @p1 $0x1;
	p0 =	seq.s32 s7, s2  }
0x1e: {  	s7 =	smul.u32 @!p0 $0xF7A, s2;
	p2 =	seq.s32 @!p0 s5, $0x0  }
0x1f: {  	s9 =	smul.u32 $0xF7A, s1;
	s8 =	simm.s32 @!p0 $0x1BF5;
	p2 =	por !p2, p0  }
0x20: {  	[sflag:s8] =	ssyncset.s32 @!p0 $0xFFFFF086;
	s6 =	sadd.s32 @!p0 s3, s7;
	s7 =	simm.s32 @!p0 $0x108  }
0x21: {  	s3 =	sadd.s32 s3, s9;
	s6 =	sadd.s32 @!p0 $0x88, s6;
	s7 =	simm.s32 @p2 $0x1082  }
0x22: {  	[simem:s7], [sflag:s8] =	dma.local @!p0 [hbm:s6], $0xF7A  }
0x23: {  	s9 =	sor.u32 $0xD0000000, s2;
	s6 =	simm.s32 $0x108;
	_ =	swait.ge @!p0 [sflag:s8], $0x0  }
0x24: {  	s3 =	sadd.s32 $0x88, s3;
	s6 =	simm.s32 @!p1 $0x1082;
	[sflag:s4] =	ssyncset.s32 $0xFFFFF086  }
0x25: {  	[simem:s6], [sflag:s4] =	dma.local [hbm:s3], $0xF7A  }
0x26: {  	[smem:$0x3F9F] =	sst s1;
	(tag) =	ssettag s2;
	_ =	strace s9  }
0x27: {  	s1 =	sld [smem:$0x3FAF]  }
0x28: {  	s2 =	sld [smem:$0x3FB0]  }
0x29: {  	s4 =	sld [smem:$0x3FB2]  }
0x2a: {  	p0 =	seq.s32 s5, $0x0;
	s5 =	sld [smem:$0x3FB3]  }
0x2b: {  	s6 =	sld [smem:$0x3FB4]  }
0x2c: {  	s7 =	sld [smem:$0x3FB5]  }
0x2d: {  	s3 =	simm.s32 $0x108;
	s8 =	sld [smem:$0x3FB6]  }
0x2e: {  	s3 =	simm.s32 @!p0 $0x1082;
	s9 =	sld [smem:$0x3FB7]  }
0x2f: {  	lr =	sadd.s32 s0, s3;
	s0 =	sld [smem:$0x3FAE]  }
0x30: {  	s3 =	sld [smem:$0x3FB1]  }
0x31: {  	[smem:$0x3FBA] =	sst s10  }
0x32: {  	s10 =	sld [smem:$0x3FB8];
	_ =	sdelay $0x3  }
0x33: {  	p0 =	seq.s32 s10, $0x1;
	s10 =	sld [smem:$0x3FBA];
	_ =	sdelay $0x3  }
0x34: {  	[smem:$0x3FBA] =	sst s10  }
0x35: {  	s10 =	sld [smem:$0x3FB9];
	_ =	sdelay $0x3  }
0x36: {  	p1 =	seq.s32 s10, $0x1;
	s10 =	sld [smem:$0x3FBA];
	_ =	sdelay $0x3  }
0x37: {  	[smem:$0x3FBA] =	sst s10  }
0x38: {  	s10 =	sld [smem:$0x3FBB]  }
0x39: {  	_ = 	snop;
	(pc) =	sbr.ind lr, $3  }
0x3a: {  	_ = 	snop  }
0x3b: {  	_ = 	snop  }
0x3c: {  	p2 =	seq.s32 s10, $0x1;
	s10 =	sld [smem:$0x3FBA]  }
0x3d: {  	_ =	shalt  }
0x3e: {  	_ =	shalt  }
0x3f: {  	_ =	shalt  }
0x40: {  	_ =	shalt  }
0x41: {  	_ =	shalt  }
0x42: {  	_ =	shalt  }
0x43: {  	_ =	shalt  }
0x44: {  	_ =	shalt  }
0x45: {  	_ =	shalt  }
0x46: {  	_ =	shalt  }
0x47: {  	_ =	shalt  }
0x48: {  	_ =	shalt  }
0x49: {  	_ =	shalt  }
0x4a: {  	_ =	shalt  }
0x4b: {  	_ =	shalt  }
0x4c: {  	_ =	shalt  }
0x4d: {  	_ =	shalt  }
0x4e: {  	_ =	shalt  }
0x4f: {  	_ =	shalt  }
0x50: {  	_ =	shalt  }
0x51: {  	_ =	shalt  }
0x52: {  	_ =	shalt  }
0x53: {  	_ =	shalt  }
0x54: {  	_ =	shalt  }
0x55: {  	_ =	shalt  }
0x56: {  	_ =	shalt  }
0x57: {  	_ =	shalt  }
0x58: {  	_ =	shalt  }
0x59: {  	_ =	shalt  }
0x5a: {  	_ =	shalt  }
0x5b: {  	_ =	shalt  }
0x5c: {  	_ =	shalt  }
0x5d: {  	_ =	shalt  }
0x5e: {  	_ =	shalt  }
0x5f: {  	_ =	shalt  }
0x60: {  	_ =	shalt  }
0x61: {  	_ =	shalt  }
0x62: {  	_ =	shalt  }
0x63: {  	_ =	shalt  }
0x64: {  	_ =	shalt  }
0x65: {  	_ =	shalt  }
0x66: {  	_ =	shalt  }
0x67: {  	_ =	shalt  }
0x68: {  	_ =	shalt  }
0x69: {  	_ =	shalt  }
0x6a: {  	_ =	shalt  }
0x6b: {  	_ =	shalt  }
0x6c: {  	_ =	shalt  }
0x6d: {  	_ =	shalt  }
0x6e: {  	_ =	shalt  }
0x6f: {  	_ =	shalt  }
0x70: {  	_ =	shalt  }
0x71: {  	_ =	shalt  }
0x72: {  	_ =	shalt  }
0x73: {  	_ =	shalt  }
0x74: {  	_ =	shalt  }
0x75: {  	_ =	shalt  }
0x76: {  	_ =	shalt  }
0x77: {  	_ =	shalt  }
0x78: {  	_ =	shalt  }
0x79: {  	_ =	shalt  }
0x7a: {  	_ =	shalt  }
0x7b: {  	_ =	shalt  }
0x7c: {  	_ =	shalt  }
0x7d: {  	_ =	shalt  }
0x7e: {  	_ =	shalt  }
0x7f: {  	_ =	shalt  }
0x80: {  	_ =	shalt  }
0x81: {  	_ =	shalt  }
0x82: {  	_ =	shalt  }
0x83: {  	_ =	shalt  }
0x84: {  	_ =	shalt  }
0x85: {  	_ =	shalt  }
0x86: {  	_ =	shalt  }
0x87: {  	_ =	shalt  }
.Lfunc_end0:
.L_simem_size_0:
called_computation.1_lowered:
.L_overlay_start_0:
0x88: {  	s2 =	sld [smem:$0x3FD9]  }
0x89: {  	s3 =	sld [smem:$0x3FFE];
	_ =	sdelay $0x1  }
0x8a: {  	s1 =	srdreg.scid  }
0x8b: {  	s0 =	sand.u32 $0x1, s1  }
0x8c: {  	s17 =	sshll.u32 s0, $0xA;
	s2 =	sadd.s32 s3, s2  }
0x8d: {  	s2 =	sadd.s32 s2, s17  }
0x8e: {  	[smem:$0x3FC6] =	sst s2  }
0x8f: {  	_ = 	snop  }
0x90: {  	s2 =	sld [smem:$0x3FD0];
	(tm) =	ssettm $0x1  }
0x91: {  	s18 =	sld [smem:$0x3FFB];
	_ =	sdelay $0x3  }
0x92: {  	_ =	strace s18  }
0x93: {  	s3 =	sld [smem:$0x3FFC];
	_ =	sdelay $0x3  }
0x94: {  	_ =	strace s3  }
0x95: {  	s3 =	sld [smem:$0x3FFD];
	_ =	sdelay $0x3  }
0x96: {  	_ =	strace s3  }
0x97: {  	_ =	strace $0x8FFFFFFF  }
0x98: {  	s19 =	sld [smem:$0x3FDB];
	_ =	sdelay $0x1  }
0x99: {  	s4 =	simm.s32 $_scs_section_size  }
0x9a: {  	s5 =	simm.s32 $_size__tile_overlayer_lowered;
	s6 =	simm.s32 $_tile_overlayer_lowered  }
0x9b: {  	s22 =	simm.s32 $0x1BFF;
	s21 =	sshll.u32 s6, $0x1;
	s3 =	sadd.s32 s4, s19  }
0x9c: {  	s7 =	simm.s32 $0x0;
	s20 =	sshll.u32 s5, $0x1;
	s5 =	sadd.s32 s21, s3  }
0x9d: {  	[timem:s7], [sflag:s22] =	dma.local [hbm:s5], s20  }
0x9e: {  	_ =	swait.ge [sflag:s22], s20  }
0x9f: {  	s4 =	ssub.s32 $0x0, s20;
	[sflag:s22] =	ssyncset.done $0x0  }
0xa0: {  	[sflag:s22] =	ssyncadd.s32 s4;
	_ =	sdelay $0x1  }
0xa1: {  	s23 =	simm.s32 $0x1B8B  }
0xa2: {  	_ =	swait.ge [sflag:s23], $0x1  }
0xa3: {  	[sflag:s23] =	ssyncset.done $0x0  }
0xa4: {  	s25 =	simm.s32 $0x1B8E;
	s24 =	sld [smem:$0x3FFE];
	[sflag:s23] =	ssyncadd.s32 $0xFFFFFFFF  }
0xa5: {  	s26 =	simm.s32 $execute0_lowered;
	[smem:$0x3FD2] =	sst s25  }
0xa6: {  	s5 =	sshll.u32 s26, $0x1;
	_ =	strace $0x80000049;
	[dreg:$0x1] =	wrdreg $0xFFFFFFFF  }
0xa7: {  	s28 =	simm.s32 $_size_execute0_lowered;
	s3 =	sadd.s32 s3, s5;
	[dreg:$0x0] =	wrdreg $0x0  }
0xa8: {  	s5 =	sshll.u32 s28, $0x1;
	[dreg:$0x2] =	wrdreg s3  }
0xa9: {  	[dreg:$0x3] =	wrdreg s5  }
0xaa: {  	[dreg:$0x4] =	wrdreg $0xC0  }
0xab: {  	_ =	task [dreg:s7], $0x5FFFF  }
0xac: {  	[dreg:$0x1] =	wrdreg $0xFFFFFFFF  }
0xad: {  	[dreg:$0x0] =	wrdreg $0x60  }
0xae: {  	[dreg:$0x2] =	wrdreg s2  }
0xaf: {  	[dreg:$0x3] =	wrdreg s24  }
0xb0: {  	[dreg:$0x4] =	wrdreg $0x9  }
0xb1: {  	_ =	task.clear_ibuf [dreg:s7], $0x5FFFF;
	_ =	strace $0x90000049  }
0xb2: {  	s29 =	simm.s32 $0x9;
	_ =	strace $0x8000004B  }
0xb3: {  	_ =	swait.ge [sflag:s29], $0x1  }
0xb4: {  	[sflag:s29] =	ssyncadd.s32 $0xFFFFFFFF  }
0xb5: {  	_ =	strace $0x9000004B  }
0xb6: {  	_ =	sfence  }
0xb7: {  	s30 =	sld [smem:$0x0];
	_ =	sdelay $0x2  }
0xb8: {  	s31 =	sshll.u32 s1, $0xD;
	s1 =	sshrl.u32 s1, $0x2  }
0xb9: {  	s3 =	sand.u32 $0x4000, s31;
	s1 =	sadd.s32 s1, s30  }
0xba: {  	s0 =	sor.u32 s3, s0;
	s1 =	sshll.u32 s1, $0x11  }
0xbb: {  	s0 =	sor.u32 s1, s0  }
0xbc: {  	s0 =	sadd.s32 $0x8F2B, s0  }
0xbd: {  	[sflag:s0] =	ssyncadd.remote.s32 $0x1  }
0xbe: {  	_ =	sfence.sel $0xFFFF  }
0xbf: {  	[dreg:$0x0] =	wrdreg $0xFFFFFFFF;
	(pc) =	sbr.abs _section_cstart, $3  }
0xc0: {  	[dreg:$0x1] =	wrdreg $0xFFFFFFFF  }
0xc1: {  	_ =	task.clear_ibuf [dreg:s7], $0x2FFFF;
	_ =	strace $0x9FFFFFFF  }
0xc2: {  	(tm) =	ssettm $0x7FFFFFFF  }
0xc3: {  	_ =	shalt  }
tec
execute0_lowered:
.L_overlay_start_1:
0x0: {  	(tag) =	ssettag $0x1  }
0x1: {  	vm0 =	vcmask $0x1B00;
	v0 =	vimm.s32 $0x2  }
0x2: {  	vm13 =	vcmask $0x371C;
	v1 =	vimm.s32 $0x4;
	vm1 =	vcmask $0x1300  }
0x3: {  	vm14 =	vcmask $0x2F14;
	vm15 =	vcmask $0x300;
	v2 =	vimm.s32 $0xC8  }
0x4: {  	v3 =	vimm.s32 $0x5040404;
	vm3 =	vcmask $0xB08;
	vm4 =	vcmask $0xF0C  }
0x5: {  	vm2 =	vcmask $0xF00;
	vm5 =	vcmask $0x1310;
	vm6 =	vcmask $0x1714  }
0x6: {  	vm7 =	vcmask $0x2710;
	vm8 =	vcmask $0x1B18;
	v2 =	vsel vm15, $0x0, v2  }
0x7: {  	vm9 =	vcmask $0x1F1C;
	v5 =	vimm.s32 $0x3E8;
	v2 =	vsel vm3, $0x190, v2  }
0x8: {  	vm10 =	vcmask $0x2724;
	v3 =	vunpack.c.0.s8.s32 v3;
	v2 =	vsel vm4, $0x258, v2  }
0x9: {  	vm11 =	vcmask $0x2B28;
	vm12 =	vcmask $0x2F2C;
	v2 =	vsel vm5, $0x320, v2  }
0xa: {  	v0 =	vsel vm0, $0x0, v0;
	v3 =	vnsel vm2, $0x6, v3;
	v4 =	vsel vm6, $0x3E8, v2  }
0xb: {  	v2 =	vsel vm7, $0x5, v3;
	v3 =	vsel vm8, $0x4B0, v4;
	v4 =	vimm.s32 $0x258  }
0xc: {  	v1 =	vsel vm1, $0x2, v1;
	v5 =	vsel vm15, $0x320, v5;
	v4 =	vsel vm15, $0x190, v4  }
0xd: {  	v0 =	vsel vm13, $0x1, v0;
	v5 =	vsel vm3, $0x4B0, v5;
	v4 =	vsel vm3, $0x320, v4  }
0xe: {  	s0 =	stileid.u32;
	v1 =	vsel vm14, $0x3, v1;
	v5 =	vsel vm4, $0x0, v5;
	v4 =	vsel vm4, $0x3E8, v4  }
0xf: {  	s1 =	rddreg [dreg:$0x0];
	s2 =	srdreg.scid;
	vm13 =	vcmask $0x3330;
	v5 =	vsel vm5, $0xC8, v5;
	v4 =	vsel vm5, $0x4B0, v4  }
0x10: {  	s5 =	rddreg [dreg:$0x1];
	s12 =	simm.s32 $0x3800;
	s13 =	simm.s32 $0x19640;
	vm14 =	vcmask $0x3734;
	v5 =	vsel vm6, $0x190, v5;
	v4 =	vsel vm6, $0x0, v4  }
0x11: {  	s14 =	simm.s32 $0x0;
	s3 =	sshll.u32 s0, $0x1;
	s7 =	sshrl.u32 s0, $0x3;
	v5 =	vsel vm8, $0x258, v5;
	v3 =	vsel vm9, $0x0, v3;
	v4 =	vsel vm8, $0xC8, v4  }
0x12: {  	s6 =	sand.u32 $0x1, s2;
	s10 =	sand.u32 $0x7, s0;
	s9 =	smul.u32 $0x992000, s7;
	v5 =	vsel vm9, $0x320, v5;
	vm15 =	vcmask $0x3B38;
	v4 =	vsel vm9, $0x190, v4  }
0x13: {  	s5 =	sadd.s32 $0x800, s5;
	s4 =	sand.u32 $0xE, s3;
	s10 =	smul.u32 $0x1C, s10;
	v3 =	vsel vm10, $0x190, v3;
	v5 =	vsel vm10, $0x4B0, v5;
	v4 =	vsel vm10, $0x320, v4  }
0x14: {  	s3 =	simm.s32 $0x0;
	s8 =	ssub.s32 $0x2, s6;
	s31 =	smul.u32 $0xE, s6;
	v3 =	vsel vm11, $0x258, v3;
	v5 =	vsel vm11, $0x0, v5;
	v4 =	vsel vm11, $0x3E8, v4  }
0x15: {  	s4 =	sor.u32 s6, s4;
	s11 =	sshrl.u32 s8, $0x1;
	s6 =	smul.u32 $0x310000, s7;
	v3 =	vsel vm12, $0x320, v3;
	v5 =	vsel vm12, $0xC8, v5;
	v4 =	vsel vm12, $0x4B0, v4  }
0x16: {  	[smem:$0x7FF] =	sst s3;
	s4 =	smul.u32 $0xE, s4;
	s8 =	ssub.s32 s8, s11;
	v3 =	vsel vm13, $0x3E8, v3;
	v5 =	vsel vm13, $0x190, v5;
	v4 =	vsel vm13, $0x0, v4  }
0x17: {  	_ =	strace $0x8000004A;
	s11 =	simm.s32 $0x700;
	s7 =	smax.u32 s8, $0x1;
	v3 =	vsel vm14, $0x4B0, v3;
	v5 =	vsel vm14, $0x258, v5;
	v4 =	vsel vm14, $0xC8, v4  }
0x18: {  	s8 =	sadd.s32 $0xFFFDF300, s9;
	s9 =	sadd.s32 s31, s10;
	s10 =	simm.s32 $0x1;
	v3 =	vsel vm15, $0x0, v3;
	v5 =	vsel vm15, $0x320, v5;
	v4 =	vsel vm15, $0x190, v4  }
.LBB2_1:
0x19: {  	s15 =	simm.s32 $0x0;
	s16 =	simm.s32 $0x0  }
.LBB2_2:
0x1a: {  	s17 =	sand.u32 $0x7, s15  }
0x1b: {  	s18 =	sshrl.u32 s16, $0x3;
	s17 =	smul.u32 $0x1C, s17  }
0x1c: {  	s19 =	smul.u32 $0x7, s18;
	_ =	sdelay $0x1  }
0x1d: {  	s28 =	sadd.s32 $0xFFFFFFFC, s17;
	s20 =	sadd.s32 s19, s9  }
0x1e: {  	s21 =	sand.u32 $0xFFFFFFF8, s28;
	p0 =	sgt.s32 s20, $0x3  }
0x1f: {  	s18 =	sand.u32 $0x7, s16;
	s20 =	simm.s32 @!p0 $0x3;
	p0 =	sgt.s32 s21, $0x0  }
0x20: {  	s22 =	smul.u32 $0x1C, s18;
	s21 =	simm.s32 @!p0 $0x0;
	s20 =	smin.u32 s20, $0xD6  }
0x21: {  	s19 =	sadd.s32 s4, s19;
	s21 =	smin.u32 s21, $0xB8;
	s20 =	smul.u32 $0xAF00, s20  }
0x22: {  	s22 =	sadd.s32 $0xFFFFFFFC, s22;
	s24 =	smov.u32 s19;
	s23 =	smul.u32 $0xC8, s21  }
0x23: {  	s25 =	sand.u32 $0xFFFFFFF8, s22;
	p0 =	sgt.s32 s19, $0x3;
	s20 =	sadd.s32 s20, s8  }
0x24: {  	s24 =	simm.s32 @!p0 $0x3;
	p0 =	sgt.s32 s25, $0x0;
	s20 =	sadd.s32 s23, s20  }
0x25: {  	s25 =	simm.s32 @!p0 $0x0;
	s20 =	sshrl.u32 s20, $0x3  }
0x26: {  	s30 =	smin.u32 s25, $0xB8;
	s22 =	sadd.s32 s20, s1  }
0x27: {  	[dreg:$0x4] =	wrdreg s30;
	s23 =	simm.s32 $0x0;
	s31 =	sadd.s32 $0x0, s22  }
0x28: {  	[tilespmem:s23], [sflag:$0x1] =	stream.linear.gather [hbm4b:s31+s3], $0x1F40, $0x38;
	[tilespmem:$0x1C740] =	vst v63  }
0x29: {  	s21 =	ssub.s32 $0x0, s21;
	s29 =	smin.u32 s24, $0xD6;
	_ =	swait.ge [sflag:s10], $0x1F40  }
0x2a: {  	s24 =	simm.s32 $0x15E0;
	s20 =	sadd.s32 $0xFFFFFFFD, s29;
	[sflag:s10] =	ssyncset.done $0x0  }
.LBB2_3:
0x2b: {  	s25 =	sadd.s32 s24, s22  }
0x2c: {  	[sflag:s10] =	ssyncadd.s32 $0xFFFFE0C0;
	s23 =	sadd.s32 $0x1F40, s23;
	p0 =	seq.s32 s24, $0x10680  }
0x2d: {  	[tilespmem:s23], [sflag:$0x1] =	stream.linear.gather [hbm4b:s25+s3], $0x1F40, $0x38;
	[tilespmem:$0x1C740] =	vst v63  }
.Ltmp0:
0x2e: {  	_ = 	snop;
	(pc) =	sbr.rel @!p0 .LBB2_3-.Ltmp0, $4  }
0x2f: {  	_ = 	snop  }
0x30: {  	s24 =	sadd.s32 $0x15E0, s24  }
0x31: {  	_ =	swait.ge [sflag:s10], $0x1F40  }
0x32: {  	[sflag:s10] =	ssyncset.done $0x0  }
0x33: {  	v6 =	vmov s20  }
0x34: {  	v6 =	vsub.s32 $0x0, v6  }
0x35: {  	v9 =	vbroadcast v6, $0x0;
	_ =	sdelay $0x1  }
0x36: {  	[sflag:s10] =	ssyncadd.s32 $0xFFFFE0C0;
	s21 =	sadd.s32 s17, s21;
	v6 =	vadd.s32 v0, v9  }
0x37: {  	s22 =	simm.s32 $0x19660;
	[dreg:$0x3] =	wrdreg s21;
	s21 =	simm.s32 $0x0;
	v7 =	vadd.s32 v1, v9;
	v8 =	vadd.s32 v2, v9;
	v9 =	vadd.s32 $0x6, v9  }
.LBB2_5:
0x38: {  	s24 =	sadd.s32 s19, s21  }
0x39: {  	p0 =	sgt.s32 s24, $0x3;
	s23 =	smov.u32 s24  }
0x3a: {  	s23 =	simm.s32 @!p0 $0x3  }
0x3b: {  	s23 =	smin.u32 s23, $0xDC  }
0x3c: {  	s25 =	sshrl.u32 s24, $0x4;
	s28 =	ssub.s32 s24, s20;
	s26 =	sadd.s32 $0xFFFFFFFD, s23  }
0x3d: {  	v14 =	vmov s28;
	s23 =	smul.u32 $0xE, s25;
	v10 =	vadd.s32 s26, v6;
	v11 =	vadd.s32 s26, v7  }
0x3e: {  	v12 =	vadd.s32 s26, v8;
	v13 =	vadd.s32 s26, v9;
	v15 =	vmul.u32 $0x1F40, v10  }
0x3f: {  	p0 =	slt.u32 s24, $0xD0;
	s24 =	smov.u32 s22;
	s30 =	sadd.s32 $0xFFFFFFF2, s23;
	v16 =	vmul.u32 $0x1F40, v11;
	v17 =	vmul.u32 $0x1F40, v12;
	v18 =	vmul.u32 $0x1F40, v13  }
0x40: {  	s25 =	sadd.s32 $0xFFFFFFFF, s25;
	s31 =	sadd.s32 $0xE, s23;
	v10 =	vmul.u32 $0x1F40, v14;
	[dreg:$0x5] =	wrdreg s30;
	v11 =	vadd.s32 v3, v15  }
0x41: {  	p1 =	slt.u32 s25, $0xE;
	s25 =	simm.s32 $0x0;
	[dreg:$0x6] =	wrdreg s31;
	v12 =	vadd.s32 v4, v16;
	v13 =	vadd.s32 v5, v17;
	v14 =	vadd.s32 $0x4B0, v18  }
.LBB2_6:
0x42: {  	s29 =	rddreg [dreg:$0x3]  }
0x43: {  	s30 =	rddreg [dreg:$0x5]  }
0x44: {  	s28 =	sadd.s32 s25, s17;
	s2 =	rddreg [dreg:$0x4]  }
0x45: {  	p2 =	sgt.s32 s28, $0x3;
	s31 =	smov.u32 s28;
	s26 =	sshrl.u32 s28, $0x4  }
0x46: {  	s29 =	sadd.s32 s25, s29;
	s31 =	simm.s32 @!p2 $0x3;
	s30 =	sadd.s32 s30, s26  }
0x47: {  	v15 =	vmov s29;
	s31 =	smin.u32 s31, $0xDC;
	p2 =	sgt.s32 s30, $0x1;
	s29 =	smov.u32 s30  }
0x48: {  	v15 =	vmul.u32 $0xC8, v15;
	s2 =	ssub.s32 s31, s2;
	s29 =	simm.s32 @!p2 $0x1  }
0x49: {  	s2 =	sadd.s32 $0xFFFFFFFD, s2;
	s29 =	smin.u32 s29, $0xC4  }
0x4a: {  	p3 =	sgt.s32 s30, $0x0;
	v15 =	vadd.s32 v10, v15;
	v16 =	vmov s2;
	s2 =	sadd.s32 $0xFFFFFFFF, s29;
	s29 =	smov.u32 s30  }
0x4b: {  	s31 =	sadd.s32 $0xFFFFFFFF, s26;
	v17 =	vmul.u32 $0xC8, v16;
	v18 =	vmov s2;
	v16 =	vbroadcast v15, $0x0;
	s29 =	simm.s32 @!p3 $0x0  }
0x4c: {  	p5 =	slt.u32 s31, $0xE;
	v20 =	vand.u32 $0xF8, v18;
	v21 =	vand.u32 $0x7, v18;
	s31 =	smin.u32 s29, $0xC3  }
0x4d: {  	s29 =	sshra.s32 s30, $0x1F;
	v19 =	vbroadcast v17, $0x0;
	v15 =	vadd.s32 v20, v16;
	v26 =	vmov s31  }
0x4e: {  	s2 =	sor.u32 s29, s30;
	s29 =	sadd.s32 s23, s26;
	v18 =	vor.u32 v21, v15;
	v27 =	vand.u32 $0xF8, v26;
	v42 =	vand.u32 $0x7, v26  }
0x4f: {  	p3 =	slt.s32 s2, $0xC2;
	s31 =	smin.u32 s29, $0xC3;
	v15 =	vadd.s32 v19, v11;
	v17 =	vadd.s32 v19, v12;
	v43 =	vadd.s32 v27, v16  }
0x50: {  	s2 =	simm.s32 @!p3 $0xC2;
	v40 =	vmov s31;
	v41 =	vadd.s32 v20, v15;
	v26 =	vor.u32 v42, v43  }
0x51: {  	v23 =	vadd.s32 v20, v17;
	v28 =	vadd.s32 v27, v15;
	s2 =	sadd.s32 $0x1, s2;
	v22 =	vor.u32 v21, v41  }
0x52: {  	v29 =	vadd.s32 v27, v17;
	v23 =	vor.u32 v21, v23;
	v31 =	vmov s2  }
0x53: {  	v51 =	vand.u32 $0x7, v40;
	v28 =	vor.u32 v42, v28;
	v32 =	vand.u32 $0xF8, v31  }
0x54: {  	v29 =	vor.u32 v42, v29;
	v44 =	vand.u32 $0x7, v31;
	v24 =	vld.idx.msk [tilespmem:v18+s3+$0x0], $0xffff;
	v45 =	vadd.s32 v32, v16  }
0x55: {  	v41 =	vand.u32 $0xF8, v40;
	v33 =	vadd.s32 v32, v15;
	v31 =	vor.u32 v44, v45;
	v26 =	vld.idx.msk [tilespmem:v26+s3+$0x0], $0xffff  }
0x56: {  	s30 =	smax.u32 s29, $0x1;
	v18 =	vadd.s32 v19, v13;
	v34 =	vadd.s32 v32, v17;
	v33 =	vor.u32 v44, v33;
	v22 =	vld.idx.msk [tilespmem:v22+s3+$0x0], $0xffff  }
0x57: {  	s2 =	smin.u32 s30, $0xC4;
	v19 =	vadd.s32 v19, v14;
	v25 =	vadd.s32 v20, v18;
	v34 =	vor.u32 v44, v34;
	v23 =	vld.idx.msk [tilespmem:v23+s3+$0x0], $0xffff  }
0x58: {  	s2 =	sadd.s32 $0xFFFFFFFF, s2;
	v52 =	vadd.s32 v16, v41;
	v20 =	vadd.s32 v20, v19;
	v25 =	vor.u32 v21, v25;
	v28 =	vld.idx.msk [tilespmem:v28+s3+$0x0], $0xffff  }
0x59: {  	v36 =	vmov s2;
	v30 =	vadd.s32 v27, v18;
	v20 =	vor.u32 v21, v20;
	v29 =	vld.idx.msk [tilespmem:v29+s3+$0x0], $0xffff  }
0x5a: {  	v27 =	vadd.s32 v27, v19;
	v35 =	vadd.s32 v32, v18;
	v30 =	vor.u32 v42, v30;
	v48 =	vld.idx.msk [tilespmem:v31+s3+$0x0], $0xffff  }
0x5b: {  	v32 =	vadd.s32 v32, v19;
	v37 =	vand.u32 $0xF8, v36;
	v21 =	vor.u32 v42, v27;
	v33 =	vld.idx.msk [tilespmem:v33+s3+$0x0], $0xffff  }
0x5c: {  	v46 =	vand.u32 $0x7, v36;
	v35 =	vor.u32 v44, v35;
	v47 =	vadd.s32 v16, v37;
	v34 =	vld.idx.msk [tilespmem:v34+s3+$0x0], $0xffff  }
0x5d: {  	v50 =	vadd.s32 v37, v15;
	v38 =	vadd.s32 v37, v17;
	v49 =	vor.u32 v46, v47;
	v25 =	vld.idx.msk [tilespmem:v25+s3+$0x0], $0xffff  }
0x5e: {  	v39 =	vadd.s32 v37, v18;
	v37 =	vadd.s32 v37, v19;
	v38 =	vor.u32 v46, v38;
	v20 =	vld.idx.msk [tilespmem:v20+s3+$0x0], $0xffff  }
0x5f: {  	p6 =	slt.u32 s28, $0xD0;
	s28 =	smin.u32 s29, $0xC2;
	s29 =	rddreg [dreg:$0x6];
	v57 =	vadd.s32 v41, v17;
	v27 =	vor.u32 v44, v32;
	v32 =	vor.u32 v46, v37;
	v30 =	vld.idx.msk [tilespmem:v30+s3+$0x0], $0xffff  }
0x60: {  	s30 =	sadd.s32 s29, s26;
	v40 =	vor.u32 v51, v52;
	s2 =	sadd.s32 $0x1, s28;
	v58 =	vadd.s32 v41, v18;
	v42 =	vadd.s32 v41, v15;
	v21 =	vld.idx.msk [tilespmem:v21+s3+$0x0], $0xffff  }
0x61: {  	s26 =	smin.u32 s30, $0xC4;
	v43 =	vmov s2;
	v44 =	vadd.s32 v41, v19;
	v42 =	vor.u32 v51, v42;
	v35 =	vld.idx.msk [tilespmem:v35+s3+$0x0], $0xffff  }
0x62: {  	s26 =	sadd.s32 $0xFFFFFFFF, s26;
	v45 =	vand.u32 $0xF8, v43;
	v36 =	vor.u32 v46, v50;
	v39 =	vor.u32 v46, v39;
	v31 =	vld.idx.msk [tilespmem:v49+s3+$0x0], $0xffff  }
0x63: {  	v46 =	vadd.s32 v16, v45;
	v50 =	vmov s26;
	v24 =	vpsel !p5, $0x0, v24;
	v53 =	vld.idx.msk [tilespmem:v38+s3+$0x0], $0xffff  }
0x64: {  	v47 =	vadd.s32 v45, v15;
	v52 =	vand.u32 $0x7, v50;
	v24 =	vpsel !p1, $0x0, v24;
	v56 =	vld.idx.msk [tilespmem:v32+s3+$0x0], $0xffff  }
0x65: {  	v26 =	vpsel !p1, $0x0, v26;
	v22 =	vmul.f32 v22, v24;
	v23 =	vmul.f32 v23, v24;
	v38 =	vld.idx.msk [tilespmem:v40+s3+$0x0], $0xffff  }
0x66: {  	v28 =	vmul.f32 v28, v26;
	v29 =	vmul.f32 v29, v26;
	v32 =	vor.u32 v51, v57;
	v60 =	vld.idx.msk [tilespmem:v42+s3+$0x0], $0xffff  }
0x67: {  	v55 =	vld.idx.msk [tilespmem:v39+s3+$0x0], $0xffff;
	v39 =	vor.u32 v51, v58;
	v22 =	vadd.f32 $0.0e+00, v22;
	v23 =	vadd.f32 $0.0e+00, v23  }
0x68: {  	v27 =	vld.idx.msk [tilespmem:v27+s3+$0x0], $0xffff;
	v49 =	vadd.s32 v45, v18;
	v25 =	vmul.f32 v25, v24;
	v20 =	vmul.f32 v20, v24  }
0x69: {  	v22 =	vadd.f32 v28, v22;
	v23 =	vadd.f32 v29, v23;
	v54 =	vmul.f32 v30, v26  }
0x6a: {  	v24 =	vpsel !p6, $0x0, v48;
	v21 =	vmul.f32 v21, v26;
	v48 =	vadd.s32 v45, v17  }
0x6b: {  	v36 =	vld.idx.msk [tilespmem:v36+s3+$0x0], $0xffff;
	v24 =	vpsel !p1, $0x0, v24;
	v63 =	vpsel !p5, $0x0, v31;
	v40 =	vmul.f32 v60, v38  }
0x6c: {  	v25 =	vadd.f32 $0.0e+00, v25;
	v33 =	vmul.f32 v33, v24;
	v59 =	vmul.f32 v34, v24  }
0x6d: {  	v20 =	vadd.f32 $0.0e+00, v20;
	v62 =	vmul.f32 v35, v24;
	v24 =	vmul.f32 v27, v24  }
0x6e: {  	v42 =	vld.idx.msk [tilespmem:v39+s3+$0x0], $0xffff;
	v28 =	vmul.f32 v53, v63;
	v35 =	vmul.f32 v55, v63;
	v25 =	vadd.f32 v54, v25  }
0x6f: {  	v26 =	vmul.f32 v56, v63;
	v20 =	vadd.f32 v21, v20;
	v61 =	vadd.f32 v33, v22  }
0x70: {  	v23 =	vadd.f32 v59, v23;
	v33 =	vmul.f32 v36, v63;
	v22 =	vadd.f32 v62, v25  }
0x71: {  	v20 =	vadd.f32 v24, v20;
	v25 =	vor.u32 v51, v44;
	v24 =	vand.u32 $0x7, v43  }
0x72: {  	v21 =	vadd.f32 v33, v61;
	v23 =	vadd.f32 v28, v23;
	v29 =	vor.u32 v24, v46  }
0x73: {  	s31 =	smin.u32 s30, $0xC3;
	v28 =	vmul.f32 v42, v38;
	v51 =	vand.u32 $0xF8, v50;
	v30 =	vor.u32 v24, v47  }
0x74: {  	v36 =	vld.idx.msk [tilespmem:v32+s3+$0x0], $0xffff;
	v61 =	vmov s31;
	v31 =	vor.u32 v24, v48;
	v32 =	vor.u32 v24, v49  }
0x75: {  	v53 =	vadd.s32 v51, v16;
	v56 =	vadd.s32 v51, v15;
	v59 =	vadd.s32 v51, v17  }
0x76: {  	s2 =	smin.u32 s30, $0xC2;
	v60 =	vadd.s32 v51, v18;
	v34 =	vadd.s32 v51, v19;
	v55 =	vor.u32 v52, v53;
	v25 =	vld.idx.msk [tilespmem:v25+s3+$0x0], $0xffff  }
0x77: {  	s2 =	sadd.s32 $0x1, s2;
	v62 =	vand.u32 $0xF8, v61;
	v63 =	vand.u32 $0x7, v61;
	v58 =	vor.u32 v52, v56;
	v54 =	vld.idx.msk [tilespmem:v29+s3+$0x0], $0xffff  }
0x78: {  	v47 =	vmov s2;
	v22 =	vadd.f32 v35, v22;
	v33 =	vor.u32 v52, v59;
	v57 =	vld.idx.msk [tilespmem:v30+s3+$0x0], $0xffff  }
0x79: {  	v20 =	vadd.f32 v26, v20;
	v26 =	vadd.s32 v45, v19;
	v35 =	vor.u32 v52, v60;
	v31 =	vld.idx.msk [tilespmem:v31+s3+$0x0], $0xffff  }
0x7a: {  	v21 =	vadd.f32 v40, v21;
	v44 =	vadd.s32 v62, v16;
	v24 =	vor.u32 v24, v26;
	v32 =	vld.idx.msk [tilespmem:v32+s3+$0x0], $0xffff  }
0x7b: {  	v45 =	vadd.s32 v62, v15;
	v48 =	vadd.s32 v62, v18;
	v26 =	vor.u32 v52, v34;
	v29 =	vld.idx.msk [tilespmem:v55+s3+$0x0], $0xffff  }
0x7c: {  	v49 =	vand.u32 $0xF8, v47;
	v27 =	vmul.f32 v36, v38;
	v36 =	vor.u32 v63, v44;
	v30 =	vld.idx.msk [tilespmem:v58+s3+$0x0], $0xffff  }
0x7d: {  	v40 =	vand.u32 $0x7, v47;
	v41 =	vor.u32 v63, v48;
	v16 =	vadd.s32 v49, v16;
	v33 =	vld.idx.msk [tilespmem:v33+s3+$0x0], $0xffff  }
0x7e: {  	v46 =	vadd.s32 v62, v17;
	v15 =	vadd.s32 v49, v15;
	v16 =	vor.u32 v40, v16;
	v35 =	vld.idx.msk [tilespmem:v35+s3+$0x0], $0xffff  }
0x7f: {  	v51 =	vadd.s32 v62, v19;
	v39 =	vor.u32 v63, v46;
	v15 =	vor.u32 v40, v15;
	v24 =	vld.idx.msk [tilespmem:v24+s3+$0x0], $0xffff  }
0x80: {  	v17 =	vadd.s32 v49, v17;
	v18 =	vadd.s32 v49, v18;
	v19 =	vadd.s32 v49, v19;
	v50 =	vld.idx.msk [tilespmem:v26+s3+$0x0], $0xffff  }
0x81: {  	v22 =	vadd.f32 v28, v22;
	v52 =	vld.idx.msk [tilespmem:v36+s3+$0x0], $0xffff;
	v25 =	vmul.f32 v25, v38;
	v38 =	vor.u32 v63, v45  }
0x82: {  	v17 =	vor.u32 v40, v17;
	v18 =	vor.u32 v40, v18;
	v19 =	vor.u32 v40, v19;
	v55 =	vld.idx.msk [tilespmem:v41+s3+$0x0], $0xffff  }
0x83: {  	v23 =	vadd.f32 v27, v23;
	v26 =	vor.u32 v63, v51;
	v16 =	vld.idx.msk [tilespmem:v16+s3+$0x0], $0xffff;
	v27 =	vpsel !p6, $0x0, v54  }
0x84: {  	v15 =	vld.idx.msk [tilespmem:v15+s3+$0x0], $0xffff;
	v20 =	vadd.f32 v25, v20;
	v28 =	vmul.f32 v57, v27;
	v29 =	vpsel !p5, $0x0, v29  }
0x85: {  	v54 =	vld.idx.msk [tilespmem:v39+s3+$0x0], $0xffff;
	v31 =	vmul.f32 v31, v27;
	v32 =	vmul.f32 v32, v27;
	v29 =	vpsel !p0, $0x0, v29  }
0x86: {  	v24 =	vmul.f32 v24, v27;
	v59 =	vpsel !p0, $0x0, v52;
	v21 =	vadd.f32 v28, v21;
	v53 =	vld.idx.msk [tilespmem:v38+s3+$0x0], $0xffff  }
0x87: {  	v17 =	vld.idx.msk [tilespmem:v17+s3+$0x0], $0xffff;
	v56 =	vmul.f32 v30, v29;
	v23 =	vadd.f32 v31, v23;
	v57 =	vmul.f32 v33, v29  }
0x88: {  	v26 =	vld.idx.msk [tilespmem:v26+s3+$0x0], $0xffff;
	v22 =	vadd.f32 v32, v22;
	v58 =	vmul.f32 v35, v29;
	v25 =	vmul.f32 v50, v29  }
0x89: {  	v18 =	vld.idx.msk [tilespmem:v18+s3+$0x0], $0xffff;
	v16 =	vpsel !p6, $0x0, v16;
	v62 =	vmul.f32 v55, v59;
	v20 =	vadd.f32 v24, v20  }
0x8a: {  	v19 =	vld.idx.msk [tilespmem:v19+s3+$0x0], $0xffff;
	v16 =	vpsel !p0, $0x0, v16;
	v23 =	vadd.f32 v57, v23;
	v61 =	vmul.f32 v54, v59  }
0x8b: {  	v21 =	vadd.f32 v56, v21;
	v22 =	vadd.f32 v58, v22;
	v60 =	vmul.f32 v53, v59  }
0x8c: {  	v15 =	vmul.f32 v15, v16;
	v17 =	vmul.f32 v17, v16;
	v23 =	vadd.f32 v61, v23  }
0x8d: {  	v20 =	vadd.f32 v25, v20;
	v63 =	vmul.f32 v26, v59;
	v21 =	vadd.f32 v60, v21  }
0x8e: {  	p2 =	sne.s32 s25, $0x1B;
	v18 =	vmul.f32 v18, v16;
	v22 =	vadd.f32 v62, v22;
	v17 =	vadd.f32 v17, v23  }
.Ltmp1:
0x8f: {  	v16 =	vmul.f32 v19, v16;
	v20 =	vadd.f32 v63, v20;
	v15 =	vadd.f32 v15, v21;
	(pc) =	sbr.rel @p2 .LBB2_6-.Ltmp1, $4  }
0x90: {  	v18 =	vadd.f32 v18, v22;
	[tilespmem:s24+$0xFFFFFFF0] =	vst v17  }
0x91: {  	[tilespmem:s24+$0xFFFFFFE0] =	vst v15;
	v15 =	vadd.f32 v16, v20  }
0x92: {  	[tilespmem:s24+$0x0] =	vst v18  }
0x93: {  	s25 =	sadd.s32 $0x1, s25;
	[tilespmem:s24+$0x10] =	vst v15;
	s24 =	sadd.s32 $0x40, s24  }
0x94: {  	s21 =	sadd.s32 $0x1, s21  }
0x95: {  	p0 =	sne.s32 s21, $0x7  }
.Ltmp2:
0x96: {  	_ = 	snop;
	(pc) =	sbr.rel @p0 .LBB2_5-.Ltmp2, $2  }
0x97: {  	_ =	sdelay $0x2  }
0x98: {  	s22 =	sadd.s32 $0x700, s22  }
0x99: {  	s2 =	smul.u32 $0x700, s18  }
0x9a: {  	s17 =	smul.u32 $0x3800, s19  }
0x9b: {  	s2 =	sor.u32 s6, s2  }
0x9c: {  	s16 =	sadd.s32 $0x1, s16;
	s2 =	sadd.s32 s17, s2  }
0x9d: {  	p0 =	sne.s32 s16, $0x10;
	s2 =	sshrl.u32 s2, $0x3  }
.Ltmp3:
0x9e: {  	s2 =	sadd.s32 s5, s2;
	(pc) =	sbr.rel @p0 .LBB2_2-.Ltmp3, $4  }
0x9f: {  	[hbm4b:s2+s11] =	stream.strided.scatter [tilespmem:s13], [sflag:$0x1], $0x3100, s12, s11, $0x38;
	[tilespmem:$0x1C740] =	vst v63  }
0xa0: {  	_ =	swait.ge [sflag:s10], $0x3100  }
0xa1: {  	[sflag:s10] =	ssyncset.done $0x0  }
0xa2: {  	s15 =	sadd.s32 $0x1, s15;
	[sflag:s10] =	ssyncadd.s32 $0xFFFFCF00  }
0xa3: {  	s14 =	sadd.s32 $0x1, s14  }
0xa4: {  	p0 =	sne.s32 s14, s7  }
.Ltmp4:
0xa5: {  	_ = 	snop;
	(pc) =	sbr.rel @p0 .LBB2_1-.Ltmp4, $1  }
0xa6: {  	_ =	sdelay $0x3  }
0xa7: {  	_ =	sfence.sel $0x180000  }
0xa8: {  	[bflag:$0x0] =	sbarrier.arrive $0xFFFF  }
0xa9: {  	_ =	strace $0x9000004A  }
0xaa: {  	[bflag:$0x2] =	sbarrier.arrive $0xFFFF  }
0xab: {  	p0 =	sne.s32 s0, $0x0;
	s0 =	rddreg [dreg:$0x2]  }
0xac: {  	s0 =	sadd.s32 @!p0 $0x100000, s0  }
0xad: {  	[sflag:s0] =	ssyncadd.tile.s32 @!p0 $0x1;
	_ =	shalt  }
.Lfunc_end2:
_tile_overlayer_lowered:
.L_overlay_start_2:
0xae: {  	(tag) =	ssettag $0x2  }
0xaf: {  	s0 =	rddreg [dreg:$0x0];
	s2 =	stileid.u32  }
0xb0: {  	s1 =	rddreg [dreg:$0x1];
	p0 =	sne.s32 s2, $0x0  }
0xb1: {  	s3 =	rddreg [dreg:$0x2];
	[bflag:$0x3] =	sbarrier.arrive $0xFFFF;
	s2 =	simm.s32 @!p0 $0x1C01  }
0xb2: {  	[timem:s3], [sflag:s2] =	dma.local @!p0 [hbm:s0], s1  }
0xb3: {  	s0 =	simm.s32 @!p0 $0x1  }
0xb4: {  	_ =	swait.ge @!p0 [sflag:s0], s1  }
0xb5: {  	s1 =	ssub.s32 @!p0 $0x0, s1;
	[sflag:s0] =	ssyncset.done @!p0 $0x0  }
0xb6: {  	[sflag:s0] =	ssyncadd.s32 @!p0 s1  }
0xb7: {  	[bflag:$0x3] =	sbarrier.arrive $0xFFFF  }
0xb8: {  	_ =	shalt  }

// kernel: sparse-core-data-format-call.cloned.1.call-start
scs
called_computation_lowered:
.L_overlay_start_0:
0x0: {  	s2 =	sld [smem:$0x3FD9]  }
0x1: {  	s3 =	sld [smem:$0x3FFE];
	_ =	sdelay $0x1  }
0x2: {  	s1 =	srdreg.scid  }
0x3: {  	s0 =	sand.u32 $0x1, s1  }
0x4: {  	s18 =	sshll.u32 s0, $0xA;
	s2 =	sadd.s32 s3, s2  }
0x5: {  	s2 =	sadd.s32 s2, s18  }
0x6: {  	[smem:$0x3FC6] =	sst s2  }
0x7: {  	_ = 	snop  }
0x8: {  	s2 =	sld [smem:$0x3FC8];
	(tm) =	ssettm $0x1  }
0x9: {  	s19 =	sld [smem:$0x3FFB];
	_ =	sdelay $0x3  }
0xa: {  	_ =	strace s19  }
0xb: {  	s3 =	sld [smem:$0x3FFC];
	_ =	sdelay $0x3  }
0xc: {  	_ =	strace s3  }
0xd: {  	s3 =	sld [smem:$0x3FFD];
	_ =	sdelay $0x3  }
0xe: {  	_ =	strace s3  }
0xf: {  	_ =	strace $0x8FFFFFFF  }
0x10: {  	s20 =	sld [smem:$0x3FDB];
	_ =	sdelay $0x1  }
0x11: {  	s4 =	simm.s32 $_scs_section_size  }
0x12: {  	s5 =	simm.s32 $_size__tile_overlayer_lowered;
	s6 =	simm.s32 $_tile_overlayer_lowered  }
0x13: {  	s23 =	simm.s32 $0x1BFF;
	s22 =	sshll.u32 s6, $0x1;
	s3 =	sadd.s32 s4, s20  }
0x14: {  	s7 =	simm.s32 $0x0;
	s21 =	sshll.u32 s5, $0x1;
	s5 =	sadd.s32 s22, s3  }
0x15: {  	[timem:s7], [sflag:s23] =	dma.local [hbm:s5], s21  }
0x16: {  	_ =	swait.ge [sflag:s23], s21  }
0x17: {  	s4 =	ssub.s32 $0x0, s21;
	[sflag:s23] =	ssyncset.done $0x0  }
0x18: {  	[sflag:s23] =	ssyncadd.s32 s4;
	_ =	sdelay $0x1  }
0x19: {  	s24 =	simm.s32 $0x1B8B  }
0x1a: {  	_ =	swait.ge [sflag:s24], $0x1  }
0x1b: {  	[sflag:s24] =	ssyncset.done $0x0  }
0x1c: {  	s26 =	simm.s32 $0x1B8E;
	s25 =	sld [smem:$0x3FFE];
	[sflag:s24] =	ssyncadd.s32 $0xFFFFFFFF  }
0x1d: {  	s27 =	simm.s32 $execute0_lowered;
	[smem:$0x3FD2] =	sst s26  }
0x1e: {  	s5 =	sshll.u32 s27, $0x1;
	_ =	strace $0x80000046;
	[dreg:$0x1] =	wrdreg $0xFFFFFFFF  }
0x1f: {  	s28 =	simm.s32 $_size_execute0_lowered;
	s3 =	sadd.s32 s3, s5;
	[dreg:$0x0] =	wrdreg $0x0  }
0x20: {  	s5 =	sshll.u32 s28, $0x1;
	[dreg:$0x2] =	wrdreg s3  }
0x21: {  	[dreg:$0x3] =	wrdreg s5  }
0x22: {  	[dreg:$0x4] =	wrdreg $0xC0  }
0x23: {  	_ =	task [dreg:s7], $0x5FFFF  }
0x24: {  	[dreg:$0x1] =	wrdreg $0xFFFFFFFF  }
0x25: {  	[dreg:$0x0] =	wrdreg $0x60  }
0x26: {  	[dreg:$0x2] =	wrdreg s2  }
0x27: {  	[dreg:$0x3] =	wrdreg s25  }
0x28: {  	[dreg:$0x4] =	wrdreg $0x9  }
0x29: {  	_ =	task.clear_ibuf [dreg:s7], $0x5FFFF;
	_ =	strace $0x90000046  }
0x2a: {  	s29 =	simm.s32 $0x9;
	_ =	strace $0x80000048  }
0x2b: {  	_ =	swait.ge [sflag:s29], $0x1  }
0x2c: {  	[sflag:s29] =	ssyncadd.s32 $0xFFFFFFFF  }
0x2d: {  	_ =	strace $0x90000048  }
0x2e: {  	_ =	sfence  }
0x2f: {  	s30 =	sld [smem:$0x0];
	_ =	sdelay $0x2  }
0x30: {  	s31 =	sshll.u32 s1, $0xD;
	s1 =	sshrl.u32 s1, $0x2  }
0x31: {  	s3 =	sand.u32 $0x4000, s31;
	s1 =	sadd.s32 s1, s30  }
0x32: {  	s0 =	sor.u32 s3, s0;
	s1 =	sshll.u32 s1, $0x11  }
0x33: {  	s0 =	sor.u32 s1, s0  }
0x34: {  	s0 =	sadd.s32 $0x8F2B, s0  }
0x35: {  	[sflag:s0] =	ssyncadd.remote.s32 $0x1  }
0x36: {  	_ =	sfence.sel $0xFFFF  }
0x37: {  	[dreg:$0x0] =	wrdreg $0xFFFFFFFF;
	(pc) =	sbr.abs _section_cstart, $3  }
0x38: {  	[dreg:$0x1] =	wrdreg $0xFFFFFFFF  }
0x39: {  	_ =	task.clear_ibuf [dreg:s7], $0x2FFFF;
	_ =	strace $0x9FFFFFFF  }
0x3a: {  	(tm) =	ssettm $0x7FFFFFFF  }
0x3b: {  	_ =	shalt  }
tec
execute0_lowered:
.L_overlay_start_1:
0x0: {  	(tag) =	ssettag $0x1  }
0x1: {  	s0 =	rddreg [dreg:$0x1]  }
0x2: {  	s4 =	stileid.u32;
	s1 =	srdreg.scid  }
0x3: {  	_ =	strace $0x80000047;
	s29 =	simm.s32 $0x1;
	s31 =	simm.s32 $0x2  }
0x4: {  	s22 =	simm.s32 $0x0;
	s24 =	simm.s32 $0x0;
	s23 =	simm.s32 $0x0  }
0x5: {  	s25 =	simm.s32 $0x0;
	s13 =	simm.s32 $0x0;
	s14 =	simm.s32 $0x0  }
0x6: {  	s15 =	simm.s32 $0x0;
	s17 =	simm.s32 $0x0;
	s16 =	simm.s32 $0x0  }
0x7: {  	s8 =	sand.u32 $0x1, s4;
	s1 =	sshll.u32 s1, $0x4;
	s0 =	sadd.s32 $0x800, s0  }
0x8: {  	s30 =	sshll.u32 s4, $0x6;
	[sflag:s29] =	ssyncpa.u1 $0x0;
	s2 =	ssub.s32 $0x2, s8  }
0x9: {  	s1 =	sand.u32 $0x10, s1;
	[dreg:$0x4] =	wrdreg s0;
	s11 =	sand.u32 $0x80, s30  }
0xa: {  	[dreg:$0x3] =	wrdreg s8;
	s3 =	sshrl.u32 s2, $0x1;
	s2 =	sand.u32 $0x1, s2  }
.Ltmp0:
0xb: {  	s27 =	sor.u32 s4, s1;
	s28 =	sadd.s32 s2, s3;
	(pc) =	sbr.rel .LBB1_1-.Ltmp0, $4  }
0xc: {  	[dreg:$0x7] =	wrdreg s11;
	s9 =	sshrl.u32 s27, $0x2;
	s10 =	smul.u32 $0x38, s28  }
0xd: {  	s21 =	simm.s32 $0x0;
	[sflag:s31] =	ssyncpa.u1 $0x0;
	[dreg:$0x5] =	wrdreg s9  }
0xe: {  	s20 =	smov.u32 s8;
	s12 =	sor.u32 $0x1, s10;
	[dreg:$0x6] =	wrdreg s10  }
0xf: {  	s19 =	smov.u32 s11;
	s18 =	smov.u32 s9;
	[dreg:$0x8] =	wrdreg s12  }
.LBB1_18:
0x10: {  	s13 =	rddreg [dreg:$0x9]  }
0x11: {  	s15 =	rddreg [dreg:$0xb]  }
0x12: {  	s4 =	rddreg [dreg:$0x18]  }
0x13: {  	s19 =	rddreg [dreg:$0x19]  }
0x14: {  	s20 =	rddreg [dreg:$0x16]  }
0x15: {  	s22 =	rddreg [dreg:$0x17]  }
0x16: {  	s17 =	rddreg [dreg:$0xd]  }
0x17: {  	s14 =	rddreg [dreg:$0xa]  }
0x18: {  	s26 =	rddreg [dreg:$0x4]  }
0x19: {  	s29 =	rddreg [dreg:$0x1a]  }
0x1a: {  	s8 =	rddreg [dreg:$0x3]  }
0x1b: {  	s9 =	rddreg [dreg:$0x5]  }
0x1c: {  	s10 =	rddreg [dreg:$0x6]  }
0x1d: {  	s11 =	rddreg [dreg:$0x7]  }
0x1e: {  	s12 =	rddreg [dreg:$0x8]  }
0x1f: {  	s31 =	simm.s32 $0x800;
	s16 =	rddreg [dreg:$0xc];
	s0 =	sshll.u32 s13, $0x8  }
0x20: {  	p0 =	sgt.s32 s15, $0x80;
	s1 =	smov.u32 s15;
	s2 =	sshll.u32 s15, $0x3  }
0x21: {  	s3 =	sshll.u32 s13, $0x7;
	s23 =	sand.u32 $0x78, s15;
	s24 =	smul.u32 $0x188000, s17  }
0x22: {  	s25 =	smul.u32 $0x1C00, s14;
	s27 =	sand.u32 $0x7, s15;
	s0 =	sand.u32 $0xFFFFF800, s0  }
0x23: {  	s1 =	simm.s32 @!p0 $0x80;
	s2 =	sand.u32 $0xFFFFFC00, s2;
	s18 =	sand.u32 $0x300, s3  }
0x24: {  	p0 =	sgt.s32 s13, $0x60;
	s3 =	sand.u32 $0x80, s3;
	s28 =	sshll.u32 s27, $0x12  }
0x25: {  	s1 =	sadd.s32 s4, s1;
	s0 =	sadd.s32 s2, s0;
	s30 =	sor.u32 $0x400, s28  }
0x26: {  	s4 =	sadd.s32 $0xFFFFFF80, s1;
	s1 =	ssub.s32 $0x100, s1;
	s0 =	sor.u32 s18, s0  }
0x27: {  	s18 =	rddreg [dreg:$0xe];
	p1 =	sgt.s32 s4, $0x7F;
	s4 =	smov.u32 s13  }
0x28: {  	s0 =	sshrl.u32 s0, $0x8;
	s4 =	simm.s32 @!p0 $0x60;
	s1 =	simm.s32 @p1 $0x0  }
0x29: {  	s21 =	smulhi.u32 $0x124924A, s0;
	s2 =	sadd.s32 s19, s4;
	s19 =	rddreg [dreg:$0xf]  }
0x2a: {  	s1 =	smul.u32 s20, s1;
	s20 =	rddreg [dreg:$0x10];
	s5 =	sadd.s32 $0xFFFFFFA0, s2  }
0x2b: {  	s2 =	ssub.s32 $0xE0, s2;
	s4 =	smul.u32 $0xE0, s21;
	s21 =	rddreg [dreg:$0x11]  }
0x2c: {  	p0 =	sgt.s32 s5, $0x7F;
	s1 =	smul.u32 s22, s1;
	s22 =	rddreg [dreg:$0x12]  }
0x2d: {  	s2 =	simm.s32 @p0 $0x0;
	s0 =	ssub.s32 s0, s4;
	s4 =	sadd.s32 s26, s24  }
0x2e: {  	s24 =	rddreg [dreg:$0x14];
	s1 =	smul.u32 s2, s1;
	s2 =	sor.u32 s23, s3  }
0x2f: {  	s3 =	sadd.s32 s25, s4;
	s0 =	sshll.u32 s0, $0x5;
	s2 =	sshrl.u32 s2, $0x3  }
0x30: {  	s4 =	sor.u32 $0x8000, s29;
	s23 =	rddreg [dreg:$0x13];
	s2 =	sadd.s32 s2, s3  }
0x31: {  	s25 =	rddreg [dreg:$0x15];
	s1 =	sand.u32 $0x3FFFFFFF, s1;
	s0 =	sadd.s32 s0, s2  }
0x32: {  	[hbm4b:s0+s30] =	stream.strided.scatter [tilespmem:s4], [sflag:$0x2], s1, s31, s30, $0x20;
	[tilespmem:$0x10100] =	vst v63  }
.LBB1_19:
0x33: {  	p0 =	slt.u32 s21, $0x2  }
0x34: {  	s1 =	smov.u32 s25;
	p1 =	sgt.s32 @!p0 s25, $0x1;
	s0 =	sshra.s32 @!p0 s25, $0x1F  }
0x35: {  	s2 =	sshra.s32 @!p0 s24, $0x1F;
	s3 =	sshra.s32 @!p0 s23, $0x1F;
	s4 =	sshra.s32 @!p0 s22, $0x1F  }
0x36: {  	p1 =	por !p1, p0;
	s0 =	sand.u32 @!p0 s0, s25;
	s2 =	sand.u32 @!p0 s2, s24  }
0x37: {  	s3 =	sand.u32 @!p0 s3, s23;
	s4 =	sand.u32 @!p0 s4, s22;
	s25 =	smov.u32 s17  }
0x38: {  	s1 =	simm.s32 @p1 $0x1;
	s0 =	sxor.u32 @!p0 $0xFFFFFFFF, s0;
	p1 =	sgt.s32 @!p0 s24, $0xDF  }
0x39: {  	s0 =	sadd.s32 @!p0 s0, s1;
	p1 =	por !p1, p0;
	s1 =	smov.u32 s24  }
0x3a: {  	s17 =	smov.u32 s20;
	p2 =	sgt.s32 @!p0 s0, $0x0;
	s1 =	simm.s32 @p1 $0xDF  }
0x3b: {  	s0 =	ssub.s32 @!p0 $0x1, s0;
	p1 =	por !p2, p0;
	s1 =	ssub.s32 @!p0 s1, s2  }
0x3c: {  	s0 =	simm.s32 @!p1 $0x0;
	s2 =	sadd.s32 @!p0 $0xFFFFFF21, s1;
	p1 =	sgt.s32 @!p0 s23, $0x80  }
0x3d: {  	p2 =	sgt.s32 @!p0 s2, $0x0;
	p1 =	por !p1, p0;
	s2 =	smov.u32 s23  }
0x3e: {  	s1 =	ssub.s32 @!p0 $0xE0, s1;
	s2 =	simm.s32 @p1 $0x80;
	p1 =	sgt.s32 @!p0 s22, $0x60  }
0x3f: {  	p2 =	por !p2, p0;
	s2 =	ssub.s32 @!p0 s2, s3;
	p1 =	por !p1, p0  }
0x40: {  	s3 =	smov.u32 s22;
	s1 =	simm.s32 @!p2 $0x0;
	s5 =	sadd.s32 @!p0 $0xFFFFFF80, s2  }
0x41: {  	s3 =	simm.s32 @p1 $0x60;
	s2 =	ssub.s32 @!p0 $0x100, s2;
	p1 =	sgt.s32 @!p0 s5, $0x7F  }
0x42: {  	s3 =	ssub.s32 @!p0 s3, s4;
	s5 =	smov.u32 s18;
	p1 =	por !p1, p0  }
0x43: {  	s4 =	sadd.s32 @!p0 $0xFFFFFFA0, s3;
	s3 =	ssub.s32 @!p0 $0xE0, s3;
	s2 =	simm.s32 @!p1 $0x0  }
0x44: {  	p1 =	sgt.s32 @!p0 s4, $0x7F;
	s0 =	smul.u32 @!p0 s0, s2;
	s2 =	sadd.s32 $0x80, s16  }
0x45: {  	s4 =	sadd.s32 $0x8, s18;
	p1 =	por !p1, p0;
	p2 =	sgt.s32 s2, $0xDF  }
0x46: {  	s3 =	simm.s32 @!p1 $0x0;
	s0 =	smul.u32 @!p0 s1, s0;
	s5 =	smov.u32 @p2 s4  }
0x47: {  	s1 =	sadd.s32 $0x100, s19;
	s4 =	smov.u32 s19;
	p1 =	sgt.s32 s5, $0xDF  }
0x48: {  	s2 =	simm.s32 @p2 $0x0;
	s0 =	smul.u32 @!p0 s3, s0;
	s4 =	smov.u32 @p1 s1  }
0x49: {  	s1 =	sadd.s32 $0x2, s20;
	s3 =	smov.u32 s20;
	p2 =	sgt.s32 s4, $0xC3  }
0x4a: {  	s24 =	smov.u32 s14;
	s14 =	smov.u32 s18;
	s3 =	smov.u32 @p2 s1  }
0x4b: {  	s23 =	smov.u32 s15;
	s5 =	smov.u32 @p1 s9;
	p1 =	sgt.s32 s3, $0x1  }
0x4c: {  	s15 =	smov.u32 s19;
	s3 =	smov.u32 @p1 s8;
	p1 =	sne.s32 s21, s12  }
.Ltmp1:
0x4d: {  	s22 =	smov.u32 s13;
	s13 =	smov.u32 s16;
	(pc) =	sbr.rel @!p1 .LBB1_20-.Ltmp1, $4  }
0x4e: {  	s16 =	smov.u32 s2;
	s0 =	sand.u32 @!p0 $0x3FFFFFFF, s0;
	s1 =	simm.s32 @!p0 $0x2  }
0x4f: {  	s18 =	smov.u32 s5;
	s4 =	smov.u32 @p2 s11;
	_ =	swait.ge @!p0 [sflag:s1], s0  }
0x50: {  	s0 =	ssub.s32 @!p0 $0x0, s0;
	s19 =	smov.u32 s4;
	[sflag:s1] =	ssyncset.done @!p0 $0x0  }
0x51: {  	s21 =	sadd.s32 $0x1, s21;
	[sflag:s1] =	ssyncadd.s32 @!p0 s0;
	s20 =	smov.u32 s3  }
.LBB1_1:
0x52: {  	p0 =	sge.u32 s21, s10  }
.Ltmp2:
0x53: {  	_ = 	snop;
	(pc) =	sbr.rel @p0 .LBB1_3-.Ltmp2, $1  }
0x54: {  	_ =	sdelay $0x3  }
0x55: {  	s0 =	sand.u32 $0x78, s16;
	s1 =	sshll.u32 s18, $0x8;
	s2 =	sshll.u32 s16, $0x3  }
0x56: {  	s3 =	sshll.u32 s18, $0x7;
	p0 =	sgt.s32 s20, $0x1;
	s6 =	sshra.s32 s20, $0x1F  }
0x57: {  	s4 =	smov.u32 s19;
	s26 =	sshra.s32 s18, $0x1F;
	s28 =	sshra.s32 s16, $0x1F  }
0x58: {  	s29 =	sxor.u32 $0xFFFFFFFF, s21;
	s31 =	smul.u32 $0x157000, s20;
	s1 =	sand.u32 $0xFFFFF800, s1  }
0x59: {  	s2 =	sand.u32 $0xFFFFFC00, s2;
	s5 =	sand.u32 $0x300, s3;
	s3 =	sand.u32 $0x80, s3  }
0x5a: {  	s27 =	sand.u32 s26, s18;
	s1 =	sadd.s32 s1, s2;
	s0 =	sor.u32 s0, s3  }
0x5b: {  	s2 =	smov.u32 s20;
	s3 =	sand.u32 s6, s20;
	s1 =	sor.u32 s5, s1  }
0x5c: {  	s2 =	simm.s32 @!p0 $0x1;
	p0 =	sgt.s32 s19, $0x44;
	s5 =	sshra.s32 s19, $0x1F  }
0x5d: {  	s3 =	sxor.u32 $0xFFFFFFFF, s3;
	s0 =	sshrl.u32 s0, $0x3;
	s1 =	sshrl.u32 s1, $0x8  }
0x5e: {  	s4 =	simm.s32 @!p0 $0x44;
	s5 =	sand.u32 s5, s19;
	s2 =	sadd.s32 s3, s2  }
0x5f: {  	s6 =	smulhi.u32 $0x124924A, s1;
	s7 =	ssub.s32 s4, s5;
	p0 =	sgt.s32 s2, $0x0  }
0x60: {  	s2 =	ssub.s32 $0x1, s2;
	s5 =	sand.u32 s28, s16;
	s4 =	sadd.s32 $0xFFFFFFBC, s7  }
0x61: {  	s2 =	simm.s32 @p0 $0x0;
	s3 =	ssub.s32 $0xC4, s7;
	p0 =	sgt.s32 s4, $0x7F  }
0x62: {  	s28 =	sand.u32 $0x7, s16;
	s6 =	smul.u32 $0xE0, s6;
	s3 =	simm.s32 @p0 $0x0  }
0x63: {  	s4 =	smov.u32 s18;
	p0 =	sgt.s32 s18, $0xDF;
	s2 =	smul.u32 s2, s3  }
0x64: {  	s4 =	simm.s32 @!p0 $0xDF;
	p0 =	sgt.s32 s16, $0x80;
	s1 =	ssub.s32 s1, s6  }
0x65: {  	s3 =	ssub.s32 s4, s27;
	s4 =	smov.u32 s16;
	s27 =	rddreg [dreg:$0x0]  }
0x66: {  	s1 =	sshll.u32 s1, $0x5;
	s7 =	sadd.s32 $0xFFFFFF21, s3;
	s4 =	simm.s32 @!p0 $0x80  }
0x67: {  	s3 =	ssub.s32 $0xE0, s3;
	p0 =	sgt.s32 s7, $0x0;
	s4 =	ssub.s32 s4, s5  }
0x68: {  	s7 =	smul.u32 $0x1C00, s19;
	s3 =	simm.s32 @p0 $0x0;
	s30 =	sadd.s32 $0xFFFFFF80, s4  }
0x69: {  	s2 =	smul.u32 s3, s2;
	p0 =	sgt.s32 s30, $0x7F;
	s3 =	ssub.s32 $0x100, s4  }
0x6a: {  	s5 =	sshll.u32 s29, $0xE;
	s4 =	sadd.s32 s27, s31;
	s3 =	simm.s32 @p0 $0x0  }
0x6b: {  	s29 =	sshll.u32 s28, $0x12;
	s4 =	sadd.s32 s7, s4;
	s2 =	smul.u32 s3, s2  }
0x6c: {  	s26 =	sand.u32 $0x4000, s5;
	s30 =	sor.u32 $0x80, s29;
	s0 =	sadd.s32 s0, s4  }
0x6d: {  	s31 =	simm.s32 $0xE000;
	s0 =	sadd.s32 s1, s0;
	s2 =	sand.u32 $0x3FFFFFFF, s2  }
0x6e: {  	[tilespmem:s26], [sflag:$0x1] =	stream.strided.gather [hbm4b:s0+s30], s2, s31, s30, $0x38;
	[tilespmem:$0x10100] =	vst v63  }
.LBB1_3:
0x6f: {  	s0 =	sadd.s32 $0xFFFFFFFF, s21  }
0x70: {  	p0 =	sge.u32 s0, s10  }
.Ltmp3:
0x71: {  	_ = 	snop;
	(pc) =	sbr.rel @p0 .LBB1_19-.Ltmp3, $1  }
0x72: {  	_ =	sdelay $0x3  }
0x73: {  	[dreg:$0x15] =	wrdreg s25  }
0x74: {  	[dreg:$0x14] =	wrdreg s24  }
0x75: {  	[dreg:$0x13] =	wrdreg s23  }
0x76: {  	[dreg:$0x12] =	wrdreg s22  }
0x77: {  	[dreg:$0x10] =	wrdreg s20  }
0x78: {  	[dreg:$0xf] =	wrdreg s19  }
0x79: {  	[dreg:$0xe] =	wrdreg s18  }
0x7a: {  	[dreg:$0xc] =	wrdreg s16;
	s0 =	sshra.s32 s17, $0x1F;
	p0 =	sgt.s32 s17, $0x1  }
0x7b: {  	s1 =	smov.u32 s17;
	s16 =	ssub.s32 $0x0, s15;
	s2 =	sshra.s32 s15, $0x1F  }
0x7c: {  	p1 =	sgt.s32 s14, $0xDF;
	s3 =	smov.u32 s14;
	[dreg:$0x9] =	wrdreg s13  }
0x7d: {  	s4 =	sshra.s32 s14, $0x1F;
	p2 =	sgt.s32 s15, $0x44;
	[dreg:$0xd] =	wrdreg s17  }
0x7e: {  	s5 =	smov.u32 s15;
	s23 =	ssub.s32 $0x0, s13;
	[dreg:$0xb] =	wrdreg s15  }
0x7f: {  	s24 =	sshra.s32 s13, $0x1F;
	[dreg:$0xa] =	wrdreg s14;
	s0 =	sand.u32 s0, s17  }
0x80: {  	s1 =	simm.s32 @!p0 $0x1;
	s3 =	simm.s32 @!p1 $0xDF;
	s4 =	sand.u32 s4, s14  }
0x81: {  	s2 =	sand.u32 s16, s2;
	s5 =	simm.s32 @!p2 $0x44;
	p1 =	sgt.s32 s13, $0x80  }
0x82: {  	s25 =	sand.u32 s23, s24;
	s0 =	sxor.u32 $0xFFFFFFFF, s0;
	s18 =	ssub.s32 s3, s4  }
0x83: {  	[dreg:$0x18] =	wrdreg s2;
	s19 =	sadd.s32 s2, s5;
	s5 =	smov.u32 s13  }
0x84: {  	s2 =	sadd.s32 $0x1, s17;
	s0 =	sadd.s32 s0, s1;
	s20 =	sadd.s32 $0xFFFFFF21, s18  }
0x85: {  	s22 =	sadd.s32 $0xFFFFFFBC, s19;
	s7 =	ssub.s32 $0xE0, s18;
	s5 =	simm.s32 @!p1 $0x80  }
0x86: {  	p0 =	sgt.s32 s0, $0x0;
	s6 =	ssub.s32 $0x1, s0;
	p1 =	sgt.s32 s22, $0x7F  }
0x87: {  	s1 =	sadd.s32 s25, s5;
	s6 =	simm.s32 @p0 $0x0;
	p0 =	sgt.s32 s20, $0x0  }
0x88: {  	s0 =	ssub.s32 $0xC4, s19;
	s26 =	sadd.s32 $0xFFFFFF80, s1;
	s7 =	simm.s32 @p0 $0x0  }
0x89: {  	s1 =	ssub.s32 $0x100, s1;
	p0 =	sgt.s32 s26, $0x7F;
	s27 =	smul.u32 s6, s7  }
0x8a: {  	s0 =	simm.s32 @p1 $0x0;
	s1 =	simm.s32 @p0 $0x0;
	p0 =	slt.s32 s2, $0x2  }
0x8b: {  	s3 =	sadd.s32 $0x80, s15;
	s2 =	simm.s32 @!p0 $0x2;
	s0 =	smul.u32 s0, s27  }
0x8c: {  	[dreg:$0x11] =	wrdreg s21;
	p0 =	slt.s32 s3, $0xC4;
	s2 =	ssub.s32 s2, s17  }
0x8d: {  	s3 =	simm.s32 @!p0 $0xC4;
	s0 =	smul.u32 s1, s0;
	s1 =	sadd.s32 $0x1, s14  }
0x8e: {  	s3 =	ssub.s32 s3, s15;
	p0 =	slt.s32 s2, $0x1;
	p1 =	slt.s32 s1, $0xE0  }
0x8f: {  	[dreg:$0x19] =	wrdreg s25;
	s1 =	simm.s32 @!p1 $0xE0;
	p1 =	slt.s32 @!p0 s3, $0x1  }
0x90: {  	s28 =	sand.u32 $0x3FFFFFFF, s0;
	s0 =	ssub.s32 s1, s14;
	p1 =	por p0, p1  }
0x91: {  	[dreg:$0x16] =	wrdreg s6;
	p2 =	slt.s32 @!p1 s0, $0x1  }
0x92: {  	[dreg:$0x17] =	wrdreg s7;
	p1 =	por p1, p2  }
.Ltmp4:
0x93: {  	[dreg:$0x1b] =	wrdreg s2;
	(pc) =	sbr.rel @p1 .LBB1_18-.Ltmp4, $4  }
0x94: {  	s29 =	simm.s32 $0x1;
	[dreg:$0x1c] =	wrdreg s3;
	s3 =	sand.u32 $0x1, s21  }
0x95: {  	_ =	swait.ge [sflag:s29], s28;
	s31 =	smul.u32 $0x4080, s3  }
0x96: {  	s30 =	ssub.s32 $0x0, s28;
	[sflag:s29] =	ssyncset.done $0x0  }
0x97: {  	[sflag:s29] =	ssyncadd.s32 s30;
	[dreg:$0x1a] =	wrdreg s31  }
0x98: {  	s2 =	rddreg [dreg:$0x9]  }
0x99: {  	s1 =	sadd.s32 $0x80, s2  }
0x9a: {  	p1 =	slt.s32 s1, $0xE0  }
.Ltmp5:
0x9b: {  	s1 =	simm.s32 @!p1 $0xE0;
	(pc) =	sbr.rel .LBB1_6-.Ltmp5, $4  }
0x9c: {  	s3 =	sshll.u32 @!p0 s3, $0xE;
	s1 =	ssub.s32 s1, s2  }
0x9d: {  	s4 =	simm.s32 $0x0;
	[dreg:$0x1d] =	wrdreg s3;
	s5 =	sadd.s32 $0xF, s1  }
0x9e: {  	s3 =	rddreg [dreg:$0x1a];
	s1 =	sand.u32 $0xFFFFFFF0, s5;
	s2 =	sand.u32 @!p0 $0xFFFFFF00, s5  }
0x9f: {  	s11 =	sor.u32 @!p0 $0x8000, s3;
	p0 =	slt.s32 s5, $0x100;
	p1 =	sge.s32 s2, s1  }
.LBB1_17:
0xa0: {  	s4 =	sadd.s32 $0x1, s4;
	s3 =	rddreg [dreg:$0x1b]  }
0xa1: {  	p2 =	sne.s32 s4, s3  }
.Ltmp6:
0xa2: {  	_ = 	snop;
	(pc) =	sbr.rel @!p2 .LBB1_18-.Ltmp6, $1  }
0xa3: {  	_ =	sdelay $0x3  }
.LBB1_6:
.Ltmp7:
0xa4: {  	(pc) =	sbr.rel .LBB1_7-.Ltmp7, $4  }
0xa5: {  	_ = 	snop  }
0xa6: {  	s3 =	sshll.u32 s4, $0x10  }
0xa7: {  	s5 =	rddreg [dreg:$0x1d];
	s3 =	sshra.s32 s3, $0x2  }
0xa8: {  	s9 =	simm.s32 $0x0;
	s6 =	sadd.s32 s3, s5  }
.LBB1_16:
0xa9: {  	s9 =	sadd.s32 $0x1, s9;
	s3 =	rddreg [dreg:$0x1c]  }
0xaa: {  	p2 =	sne.s32 s9, s3  }
.Ltmp8:
0xab: {  	_ = 	snop;
	(pc) =	sbr.rel @!p2 .LBB1_17-.Ltmp8, $1  }
0xac: {  	_ =	sdelay $0x3  }
.LBB1_7:
0xad: {  	s5 =	sshrl.u32 s9, $0x4;
	s3 =	sshll.u32 s9, $0x3;
	s7 =	sshll.u32 s9, $0x9  }
0xae: {  	s8 =	sand.u32 $0x78, s5;
	s10 =	sadd.s32 $0x800, s3;
	s13 =	sadd.s32 $0x1000, s3  }
0xaf: {  	s14 =	sadd.s32 $0x1800, s3;
	s15 =	sadd.s32 $0x2800, s3;
	s31 =	sadd.s32 $0x3000, s3  }
0xb0: {  	s12 =	smul.u32 $0x204, s8;
	s10 =	sshrl.u32 s10, $0x7;
	s8 =	sxor.u32 $0x40, s8  }
0xb1: {  	s13 =	sshrl.u32 s13, $0x7;
	s10 =	sand.u32 $0x78, s10;
	s16 =	smul.u32 $0x204, s8  }
0xb2: {  	s14 =	sshrl.u32 s14, $0x7;
	s13 =	sand.u32 $0x78, s13;
	s10 =	smul.u32 $0x204, s10  }
0xb3: {  	s30 =	sshrl.u32 s15, $0x7;
	s14 =	sand.u32 $0x78, s14;
	s13 =	smul.u32 $0x204, s13  }
0xb4: {  	s15 =	sshrl.u32 s31, $0x7;
	s8 =	sand.u32 $0x78, s30;
	s14 =	smul.u32 $0x204, s14  }
0xb5: {  	s3 =	sadd.s32 $0x3800, s3;
	s15 =	sand.u32 $0x78, s15;
	s17 =	smul.u32 $0x204, s8  }
0xb6: {  	s29 =	simm.s32 $0x0;
	s3 =	sshrl.u32 s3, $0x7;
	s15 =	smul.u32 $0x204, s15  }
.Ltmp9:
0xb7: {  	s7 =	sshra.s32 s7, $0x2;
	s18 =	sand.u32 $0x78, s3;
	(pc) =	sbr.rel .LBB1_8-.Ltmp9, $4  }
0xb8: {  	s3 =	sadd.s32 s7, s6;
	s8 =	sand.u32 $0x7F, s9;
	s18 =	smul.u32 $0x204, s18  }
0xb9: {  	s27 =	sshrl.u32 s12, $0x2;
	s7 =	sadd.s32 s8, s11;
	s21 =	sshrl.u32 s16, $0x2  }
0xba: {  	s28 =	sshrl.u32 s10, $0x2;
	s25 =	sshrl.u32 s13, $0x2;
	s26 =	sshrl.u32 s14, $0x2  }
0xbb: {  	s13 =	sshrl.u32 s17, $0x2;
	s16 =	sshrl.u32 s15, $0x2;
	s22 =	sshrl.u32 s18, $0x2  }
.LBB1_15:
0xbc: {  	s29 =	sadd.s32 $0x1, s29  }
0xbd: {  	p2 =	sne.s32 s29, s0  }
.Ltmp10:
0xbe: {  	_ = 	snop;
	(pc) =	sbr.rel @!p2 .LBB1_16-.Ltmp10, $1  }
0xbf: {  	_ =	sdelay $0x3  }
.LBB1_8:
.Ltmp11:
0xc0: {  	(pc) =	sbr.rel @p0 .LBB1_12-.Ltmp11, $2  }
0xc1: {  	_ =	sdelay $0x2  }
0xc2: {  	s23 =	sshll.u32 s29, $0x7;
	s24 =	sadd.s32 s4, s29  }
0xc3: {  	s12 =	sand.u32 $0x380, s23  }
0xc4: {  	s10 =	smul.u32 $0x10200, s24;
	s15 =	sadd.s32 s12, s3  }
0xc5: {  	v3 =	vld [tilespmem:s15+$0x60]  }
0xc6: {  	s10 =	sshra.s32 s10, $0x2;
	v2 =	vld [tilespmem:s15+$0x40]  }
0xc7: {  	v4 =	vld [tilespmem:s15+$0x30];
	s10 =	sadd.s32 s10, s11  }
0xc8: {  	v5 =	vld [tilespmem:s15+$0x20];
	s14 =	sadd.s32 s27, s10;
	s17 =	sadd.s32 s28, s10;
	s30 =	sadd.s32 s16, s10  }
0xc9: {  	v6 =	vld [tilespmem:s15+$0x10];
	s19 =	sadd.s32 s8, s17;
	s17 =	sadd.s32 s21, s10;
	s30 =	sadd.s32 s8, s30  }
0xca: {  	v7 =	vld [tilespmem:s15+$0x0];
	s18 =	sadd.s32 s8, s14;
	s14 =	sadd.s32 s26, s10;
	s17 =	sadd.s32 s8, s17;
	[tilespmem:s30+$0x0 ss:$0x81] =	vst.msk $0xffff, v3  }
0xcb: {  	s20 =	sadd.s32 s25, s10;
	s12 =	sadd.s32 s8, s14;
	[tilespmem:s17+$0x0 ss:$0x81] =	vst.msk $0xffff, v2  }
0xcc: {  	s20 =	sadd.s32 s8, s20;
	[tilespmem:s12+$0x0 ss:$0x81] =	vst.msk $0xffff, v4  }
0xcd: {  	[tilespmem:s20+$0x0 ss:$0x81] =	vst.msk $0xffff, v5  }
0xce: {  	v0 =	vld [tilespmem:s15+$0x70];
	[tilespmem:s19+$0x0 ss:$0x81] =	vst.msk $0xffff, v6  }
0xcf: {  	p2 =	sgt.s32 s2, $0x100;
	v1 =	vld [tilespmem:s15+$0x50];
	[tilespmem:s18+$0x0 ss:$0x81] =	vst.msk $0xffff, v7  }
.Ltmp12:
0xd0: {  	[tilespmem:s18+$0x0 ss:$0x81] =	vst.msk $0xffff, v7;
	(pc) =	sbr.rel @!p2 .LBB1_11-.Ltmp12, $4  }
0xd1: {  	s14 =	sadd.s32 s13, s10;
	s10 =	sadd.s32 s22, s10;
	[tilespmem:s19+$0x0 ss:$0x81] =	vst.msk $0xffff, v6  }
0xd2: {  	s10 =	sadd.s32 s8, s10;
	[tilespmem:s20+$0x0 ss:$0x81] =	vst.msk $0xffff, v5  }
0xd3: {  	s14 =	sadd.s32 s8, s14;
	[tilespmem:s10+$0x0 ss:$0x81] =	vst.msk $0xffff, v0  }
0xd4: {  	s31 =	simm.s32 $0x100;
	[tilespmem:s14+$0x0 ss:$0x81] =	vst.msk $0xffff, v1  }
.LBB1_10:
0xd5: {  	v5 =	vld [tilespmem:s15+$0x70];
	[tilespmem:s12+$0x0 ss:$0x81] =	vst.msk $0xffff, v4  }
0xd6: {  	v6 =	vld [tilespmem:s15+$0x60];
	[tilespmem:s17+$0x0 ss:$0x81] =	vst.msk $0xffff, v2  }
0xd7: {  	[tilespmem:s14+$0x0 ss:$0x81] =	vst.msk $0xffff, v1;
	v1 =	vld [tilespmem:s15+$0x50]  }
0xd8: {  	v2 =	vld [tilespmem:s15+$0x40];
	[tilespmem:s30+$0x0 ss:$0x81] =	vst.msk $0xffff, v3  }
0xd9: {  	v4 =	vld [tilespmem:s15+$0x30];
	[tilespmem:s10+$0x0 ss:$0x81] =	vst.msk $0xffff, v0  }
0xda: {  	v7 =	vld [tilespmem:s15+$0x20];
	[tilespmem:s10+$0x0 ss:$0x81] =	vst.msk $0xffff, v5;
	v0 =	vmov v5  }
0xdb: {  	v5 =	vld [tilespmem:s15+$0x10];
	[tilespmem:s30+$0x0 ss:$0x81] =	vst.msk $0xffff, v6;
	v3 =	vmov v6  }
0xdc: {  	s31 =	sadd.s32 $0x100, s31;
	v6 =	vld [tilespmem:s15+$0x0];
	[tilespmem:s14+$0x0 ss:$0x81] =	vst.msk $0xffff, v1  }
0xdd: {  	p2 =	slt.s32 s31, s2;
	[tilespmem:s17+$0x0 ss:$0x81] =	vst.msk $0xffff, v2  }
0xde: {  	[tilespmem:s12+$0x0 ss:$0x81] =	vst.msk $0xffff, v4  }
0xdf: {  	[tilespmem:s20+$0x0 ss:$0x81] =	vst.msk $0xffff, v7  }
.Ltmp13:
0xe0: {  	[tilespmem:s19+$0x0 ss:$0x81] =	vst.msk $0xffff, v5;
	(pc) =	sbr.rel @p2 .LBB1_10-.Ltmp13, $4  }
0xe1: {  	[tilespmem:s18+$0x0 ss:$0x81] =	vst.msk $0xffff, v6  }
0xe2: {  	[tilespmem:s18+$0x0 ss:$0x81] =	vst.msk $0xffff, v6  }
0xe3: {  	[tilespmem:s19+$0x0 ss:$0x81] =	vst.msk $0xffff, v5  }
0xe4: {  	[tilespmem:s20+$0x0 ss:$0x81] =	vst.msk $0xffff, v7  }
.LBB1_11:
0xe5: {  	[tilespmem:s12+$0x0 ss:$0x81] =	vst.msk $0xffff, v4  }
0xe6: {  	[tilespmem:s17+$0x0 ss:$0x81] =	vst.msk $0xffff, v2  }
0xe7: {  	[tilespmem:s14+$0x0 ss:$0x81] =	vst.msk $0xffff, v1  }
0xe8: {  	[tilespmem:s30+$0x0 ss:$0x81] =	vst.msk $0xffff, v3  }
0xe9: {  	[tilespmem:s10+$0x0 ss:$0x81] =	vst.msk $0xffff, v0  }
.LBB1_12:
.Ltmp14:
0xea: {  	(pc) =	sbr.rel @p1 .LBB1_15-.Ltmp14, $1  }
0xeb: {  	_ =	sdelay $0x3  }
0xec: {  	s12 =	sand.u32 $0x380, s23  }
0xed: {  	s10 =	smul.u32 $0x10200, s24;
	s12 =	sadd.s32 s12, s3  }
0xee: {  	v0 =	vmov s12  }
0xef: {  	s10 =	sshra.s32 s10, $0x2  }
0xf0: {  	s12 =	smov.u32 s2;
	s10 =	sadd.s32 s10, s7  }
.LBB1_14:
0xf1: {  	s15 =	sadd.s32 s12, s5  }
0xf2: {  	s14 =	sand.u32 $0x70, s12;
	s12 =	sadd.s32 $0x10, s12;
	s31 =	sand.u32 $0x78, s15  }
0xf3: {  	v1 =	vld.idx.msk [tilespmem:v0+s14+$0x0 ss:$0x1], $0xffff;
	p2 =	slt.s32 s12, s1;
	s14 =	smul.u32 $0x204, s31  }
.Ltmp15:
0xf4: {  	_ = 	snop;
	(pc) =	sbr.rel @p2 .LBB1_14-.Ltmp15, $4  }
0xf5: {  	_ = 	snop  }
0xf6: {  	s14 =	sshrl.u32 s14, $0x2  }
0xf7: {  	s14 =	sadd.s32 s14, s10  }
0xf8: {  	[tilespmem:s14+$0x0 ss:$0x81] =	vst.msk $0xffff, v1  }
.Ltmp16:
0xf9: {  	_ = 	snop;
	(pc) =	sbr.rel .LBB1_15-.Ltmp16, $1  }
0xfa: {  	_ =	sdelay $0x3  }
.LBB1_20:
0xfb: {  	_ =	sfence.sel $0x180000  }
0xfc: {  	s0 =	simm.s32 $0x1;
	[bflag:$0x0] =	sbarrier.arrive $0xFFFF  }
0xfd: {  	s30 =	simm.s32 $0x2;
	[sflag:s0] =	ssyncpa.u1 $0x1  }
0xfe: {  	[sflag:s30] =	ssyncpa.u1 $0x1  }
0xff: {  	_ =	strace $0x90000047  }
0x100: {  	s31 =	stileid.u32;
	[bflag:$0x2] =	sbarrier.arrive $0xFFFF  }
0x101: {  	p0 =	sne.s32 s31, $0x0;
	s0 =	rddreg [dreg:$0x2]  }
0x102: {  	s0 =	sadd.s32 @!p0 $0x100000, s0  }
0x103: {  	[sflag:s0] =	ssyncadd.tile.s32 @!p0 $0x1;
	_ =	shalt  }
.Lfunc_end1:
_tile_overlayer_lowered:
.L_overlay_start_2:
0x104: {  	(tag) =	ssettag $0x2  }
0x105: {  	s0 =	rddreg [dreg:$0x0];
	s2 =	stileid.u32  }
0x106: {  	s1 =	rddreg [dreg:$0x1];
	p0 =	sne.s32 s2, $0x0  }
0x107: {  	s3 =	rddreg [dreg:$0x2];
	[bflag:$0x3] =	sbarrier.arrive $0xFFFF;
	s2 =	simm.s32 @!p0 $0x1C01  }
0x108: {  	[timem:s3], [sflag:s2] =	dma.local @!p0 [hbm:s0], s1  }
0x109: {  	s0 =	simm.s32 @!p0 $0x1  }
0x10a: {  	_ =	swait.ge @!p0 [sflag:s0], s1  }
0x10b: {  	s1 =	ssub.s32 @!p0 $0x0, s1;
	[sflag:s0] =	ssyncset.done @!p0 $0x0  }
0x10c: {  	[sflag:s0] =	ssyncadd.s32 @!p0 s1  }
0x10d: {  	[bflag:$0x3] =	sbarrier.arrive $0xFFFF  }
0x10e: {  	_ =	shalt  }

</sc_bundles>
